<compile_context>
chip_gen: v7x
topology: tpu7x:2x2x1
jax: 0.10.2.dev20260603
libtpu: 0.0.44.dev20260713+nightly
codegen_flags: <defaults>
</compile_context>

<pallas_src>
import functools

import jax
import jax.numpy as jnp
from jax import lax
from jax.experimental import pallas as pl
from jax.experimental.pallas import tpu as pltpu
from jax.experimental.pallas import tpu_sc as plsc

_NEG = 20
_Q = 10.0
_D = 128
_P = 327680

_NC = 2
_NS = 16
_NW = _NC * _NS
_PPW = _P // _NW
_C = 128
_NCHUNK = _PPW // _C
_GROUPS = _C // 16
_DV = _D // 16


def _sc_scores_body(table, nidx_hbm, pidx_hbm, negidx_hbm, outp_hbm, outt_hbm,
                    nidx_v, pidx_v, negidx_v, negrows, rows_n, rows_p,
                    pmat, tmat, outp_v, outt_v,
                    sem_n0, sem_n1, sem_p0, sem_p1):
    wid = lax.axis_index("s") * _NC + lax.axis_index("c")
    base = wid * _PPW

    pltpu.sync_copy(nidx_hbm.at[pl.ds(base, _PPW)], nidx_v)
    pltpu.sync_copy(pidx_hbm.at[pl.ds(base, _PPW)], pidx_v)
    pltpu.sync_copy(negidx_hbm, negidx_v)

    pltpu.async_copy(table.at[nidx_v.at[pl.ds(0, _C)]], rows_n.at[0], sem_n0)
    pltpu.async_copy(table.at[pidx_v.at[pl.ds(0, _C)]], rows_p.at[0], sem_p0)

    pltpu.async_copy(table.at[negidx_v], negrows, sem_n1).wait()
    s = []
    for k in range(_DV):
        acc = negrows[0, pl.ds(k * 16, 16)]
        for j in range(1, _NEG):
            acc = acc + negrows[j, pl.ds(k * 16, 16)]
        s.append(acc)

    lane = lax.iota(jnp.int32, 16)
    scat_base = lane * 16
    mask15 = lane == 15

    sem_n = [sem_n0, sem_n1]
    sem_p = [sem_p0, sem_p1]

    def issue(c, b):
        pltpu.async_copy(table.at[nidx_v.at[pl.ds(c * _C, _C)]],
                         rows_n.at[b], sem_n[b])
        pltpu.async_copy(table.at[pidx_v.at[pl.ds(c * _C, _C)]],
                         rows_p.at[b], sem_p[b])

    def drain(b):
        pltpu.make_async_copy(table.at[pl.ds(0, _C)], rows_n.at[b],
                              sem_n[b]).wait()
        pltpu.make_async_copy(table.at[pl.ds(0, _C)], rows_p.at[b],
                              sem_p[b]).wait()

    def compute(c, b):
        obase = c * _C

        @plsc.parallel_loop(0, _C, step=1, unroll=4)
        def _rows(r):
            n = [rows_n[b, r, pl.ds(k * 16, 16)] for k in range(_DV)]
            p = [rows_p[b, r, pl.ds(k * 16, 16)] for k in range(_DV)]
            pp = n[0] * p[0]
            pt = n[0] * s[0]
            for k in range(1, _DV):
                pp = pp + n[k] * p[k]
                pt = pt + n[k] * s[k]
            plsc.store_compressed(pmat.at[pl.ds(r * 16, 16)],
                                  plsc.cumsum(pp), mask=mask15)
            plsc.store_compressed(tmat.at[pl.ds(r * 16, 16)],
                                  plsc.cumsum(pt), mask=mask15)

        @plsc.parallel_loop(0, _GROUPS, step=1, unroll=2)
        def _pack(g):
            idx = g * 256 + scat_base
            outp_v[pl.ds(obase + g * 16, 16)] = plsc.load_gather(pmat, [idx])
            outt_v[pl.ds(obase + g * 16, 16)] = plsc.load_gather(tmat, [idx])

    def chunk_pair(i, carry):
        for b in range(2):
            c = i * 2 + b
            nxt = c + 1

            @pl.when(nxt < _NCHUNK)
            def _():
                issue(nxt, 1 - b)

            drain(b)
            compute(c, b)
        return carry

    lax.fori_loop(0, _NCHUNK // 2, chunk_pair, 0)

    pltpu.sync_copy(outp_v, outp_hbm.at[pl.ds(base, _PPW)])
    pltpu.sync_copy(outt_v, outt_hbm.at[pl.ds(base, _PPW)])


@functools.cache
def _make_sc_scores():
    mesh = plsc.VectorSubcoreMesh(
        core_axis_name="c", subcore_axis_name="s", num_cores=_NC,
        num_subcores=_NS,
    )
    return pl.kernel(
        _sc_scores_body,
        out_type=(
            jax.ShapeDtypeStruct((_P,), jnp.float32),
            jax.ShapeDtypeStruct((_P,), jnp.float32),
        ),
        mesh=mesh,
        compiler_params=pltpu.CompilerParams(needs_layout_passes=False),
        scratch_types=[
            pltpu.VMEM((_PPW,), jnp.int32),
            pltpu.VMEM((_PPW,), jnp.int32),
            pltpu.VMEM((_NEG,), jnp.int32),
            pltpu.VMEM((_NEG, _D), jnp.float32),
            pltpu.VMEM((2, _C, _D), jnp.float32),
            pltpu.VMEM((2, _C, _D), jnp.float32),
            pltpu.VMEM((_C * 16,), jnp.float32),
            pltpu.VMEM((_C * 16,), jnp.float32),
            pltpu.VMEM((_PPW,), jnp.float32),
            pltpu.VMEM((_PPW,), jnp.float32),
            pltpu.SemaphoreType.DMA,
            pltpu.SemaphoreType.DMA,
            pltpu.SemaphoreType.DMA,
            pltpu.SemaphoreType.DMA,
        ],
    )


_RB = 2560
_NROW = _P // _D
_NBLK = _NROW // _RB


def _tc_loss_body(ps_ref, t_ref, out_ref):
    i = pl.program_id(0)

    @pl.when(i == 0)
    def _():
        out_ref[...] = jnp.zeros_like(out_ref)

    ps = ps_ref[...]
    t = t_ref[...]
    term_pos = jnp.maximum(ps, 0.0) - ps + jnp.log1p(jnp.exp(-jnp.abs(ps)))
    term_neg = jnp.maximum(-t, 0.0) + jnp.log1p(jnp.exp(-jnp.abs(t)))
    out_ref[...] = out_ref[...] + (jnp.sum(term_pos) + _Q * jnp.sum(term_neg))

    @pl.when(i == _NBLK - 1)
    def _():
        out_ref[...] = out_ref[...] * (1.0 / _P)


def kernel(embedding_mat, node_idxs, pos_idxs, neg_idxs):
    ps, t = _make_sc_scores()(embedding_mat,
                              node_idxs.astype(jnp.int32),
                              pos_idxs.astype(jnp.int32),
                              neg_idxs.astype(jnp.int32))
    loss = pl.pallas_call(
        _tc_loss_body,
        grid=(_NBLK,),
        in_specs=[
            pl.BlockSpec((_RB, _D), lambda i: (i, 0)),
            pl.BlockSpec((_RB, _D), lambda i: (i, 0)),
        ],
        out_specs=pl.BlockSpec((1, 1), lambda i: (0, 0)),
        out_shape=jax.ShapeDtypeStruct((1, 1), jnp.float32),
    )(ps.reshape(_NROW, _D), t.reshape(_NROW, _D))
    return loss.reshape(1)

# --- scband reference (transcript-rebuilt; emitter-appended) ---
"""Pipeline reference for scband-main-loss-49117245997116 (READ-ONLY COPY).

The authoritative reference and input builder live on the scoring server;
editing this copy changes nothing except your own understanding.
"""

import jax, jax.numpy as jnp
import numpy as np

NEG_NUM = 20
Q = 10.0
N_NODES = 100000
D = 128
N_PAIRS = 327680  # batch_nodes(16384) * neg_num(20)


def setup_inputs(seed: int = 0) -> dict:
    key = jax.random.key(seed)
    k1, k2, k3, k4 = jax.random.split(key, 4)
    embedding_mat = jax.random.normal(k1, (N_NODES, D), dtype=jnp.float32)
    node_idxs = jax.random.randint(k2, (N_PAIRS,), 0, N_NODES, dtype=jnp.int64 if jax.config.jax_enable_x64 else jnp.int32)
    pos_idxs = jax.random.randint(k3, (N_PAIRS,), 0, N_NODES, dtype=jnp.int64 if jax.config.jax_enable_x64 else jnp.int32)
    neg_idxs = jax.random.randint(k4, (NEG_NUM,), 0, N_NODES, dtype=jnp.int64 if jax.config.jax_enable_x64 else jnp.int32)
    return {"embedding_mat": embedding_mat, "node_idxs": node_idxs, "pos_idxs": pos_idxs, "neg_idxs": neg_idxs}


def _bce_with_logits(logits, targets):
    # PyTorch BCEWithLogitsLoss (mean reduction):
    # max(x,0) - x*y + log(1 + exp(-|x|))
    return jnp.mean(jnp.maximum(logits, 0.0) - logits * targets + jnp.log1p(jnp.exp(-jnp.abs(logits))))


def reference(embedding_mat, node_idxs, pos_idxs, neg_idxs):
    # Single-timestamp faithful translation of MainLoss.forward's inner loop body.
    e_node = jnp.take(embedding_mat, node_idxs, axis=0)          # [P, D] gather
    e_pos = jnp.take(embedding_mat, pos_idxs, axis=0)            # [P, D] gather
    e_neg = jnp.take(embedding_mat, neg_idxs, axis=0)            # [neg_num, D] gather
    pos_score = jnp.sum(e_node * e_pos, axis=1)                  # [P]
    neg_score = -1.0 * jnp.sum(e_node @ e_neg.T, axis=1)         # [P]
    pos_loss = _bce_with_logits(pos_score, jnp.ones_like(pos_score))
    neg_loss = _bce_with_logits(neg_score, jnp.zeros_like(neg_score))
    loss_val = jnp.mean(pos_loss) + Q * jnp.mean(neg_loss)
    loss_val_sum = jnp.array([0.0], dtype=jnp.float32) + loss_val
    return loss_val_sum

if __name__ == "__main__":
    import jax
    _d = setup_inputs()
    print(jax.jit(kernel)(*tuple(_d.values())))

</pallas_src>

<mosaic_0001>
#map = affine_map<(d0, d1) -> (0, 0)>
#map1 = affine_map<(d0, d1) -> (0)>
module attributes {stable_mosaic.version = 14 : i64} {
  func.func @_sc_scores_body(%arg0: i32, %arg1: i32, %arg2: memref<100000x128xf32, #tpu.memory_space<hbm>>, %arg3: memref<327680xi32, #tpu.memory_space<hbm>>, %arg4: memref<327680xi32, #tpu.memory_space<hbm>>, %arg5: memref<20xi32, #tpu.memory_space<hbm>>, %arg6: memref<327680xf32, #tpu.memory_space<hbm>>, %arg7: memref<327680xf32, #tpu.memory_space<hbm>>, %arg8: memref<10240xi32, #tpu.memory_space<vmem>>, %arg9: memref<10240xi32, #tpu.memory_space<vmem>>, %arg10: memref<20xi32, #tpu.memory_space<vmem>>, %arg11: memref<20x128xf32, #tpu.memory_space<vmem>>, %arg12: memref<2x128x128xf32, #tpu.memory_space<vmem>>, %arg13: memref<2x128x128xf32, #tpu.memory_space<vmem>>, %arg14: memref<2048xf32, #tpu.memory_space<vmem>>, %arg15: memref<2048xf32, #tpu.memory_space<vmem>>, %arg16: memref<10240xf32, #tpu.memory_space<vmem>>, %arg17: memref<10240xf32, #tpu.memory_space<vmem>>, %arg18: memref<!tpu.dma_semaphore, #tpu.memory_space<semaphore_mem>>, %arg19: memref<!tpu.dma_semaphore, #tpu.memory_space<semaphore_mem>>, %arg20: memref<!tpu.dma_semaphore, #tpu.memory_space<semaphore_mem>>, %arg21: memref<!tpu.dma_semaphore, #tpu.memory_space<semaphore_mem>>) attributes {dimension_semantics = [#tpu.dimension_semantics<core_parallel>, #tpu.dimension_semantics<subcore_parallel>], iteration_bounds = array<i64: 2, 16>, scalar_prefetch = 0 : i64, scratch_operands = 14 : i64, tpu.core_type = #tpu.core_type<sc_vector_subcore>, window_params = [{transform_indices = #map}, {transform_indices = #map1}, {transform_indices = #map1}, {transform_indices = #map1}, {transform_indices = #map1}, {transform_indices = #map1}]} {
    %mul3A = arith.constant 2 : i32
    %mul3A_0 = arith.muli %arg1, %mul3A : i32
    %add3A = arith.addi %mul3A_0, %arg0 : i32
    %mul3A_1 = arith.constant 10240 : i32
    %mul3A_2 = arith.muli %add3A, %mul3A_1 : i32
    "tpu.region"() ({
      %run_scoped3A = tpu.sem_alloc : memref<!tpu.dma_semaphore, #tpu.memory_space<semaphore_mem>>
      %dma_start3A_828 = tpu.memref_slice %arg3[%mul3A_2] : memref<327680xi32, #tpu.memory_space<hbm>> -> memref<10240xi32, #tpu.memory_space<hbm>>
      %dma_start3A_829 = tpu.memref_slice %arg3[%mul3A_2] : memref<327680xi32, #tpu.memory_space<hbm>> -> memref<10240xi32, #tpu.memory_space<hbm>>
      tpu.enqueue_dma source(%dma_start3A_829 : memref<10240xi32, #tpu.memory_space<hbm>>) target(%arg8 : memref<10240xi32, #tpu.memory_space<vmem>>) target_semaphore(%run_scoped3A : memref<!tpu.dma_semaphore, #tpu.memory_space<semaphore_mem>>)
      %dma_wait3A_830 = tpu.memref_slice %arg3[%mul3A_2] : memref<327680xi32, #tpu.memory_space<hbm>> -> memref<10240xi32, #tpu.memory_space<hbm>>
      %dma_wait3A_831 = tpu.memref_slice %arg3[%mul3A_2] : memref<327680xi32, #tpu.memory_space<hbm>> -> memref<10240xi32, #tpu.memory_space<hbm>>
      tpu.wait_dma2 semaphore(%run_scoped3A : memref<!tpu.dma_semaphore, #tpu.memory_space<semaphore_mem>>) src(%dma_wait3A_831 : memref<10240xi32, #tpu.memory_space<hbm>>) dst(%arg8 : memref<10240xi32, #tpu.memory_space<vmem>>)
      tpu.yield
    }) : () -> ()
    "tpu.region"() ({
      %run_scoped3A = tpu.sem_alloc : memref<!tpu.dma_semaphore, #tpu.memory_space<semaphore_mem>>
      %dma_start3A_828 = tpu.memref_slice %arg4[%mul3A_2] : memref<327680xi32, #tpu.memory_space<hbm>> -> memref<10240xi32, #tpu.memory_space<hbm>>
      %dma_start3A_829 = tpu.memref_slice %arg4[%mul3A_2] : memref<327680xi32, #tpu.memory_space<hbm>> -> memref<10240xi32, #tpu.memory_space<hbm>>
      tpu.enqueue_dma source(%dma_start3A_829 : memref<10240xi32, #tpu.memory_space<hbm>>) target(%arg9 : memref<10240xi32, #tpu.memory_space<vmem>>) target_semaphore(%run_scoped3A : memref<!tpu.dma_semaphore, #tpu.memory_space<semaphore_mem>>)
      %dma_wait3A_830 = tpu.memref_slice %arg4[%mul3A_2] : memref<327680xi32, #tpu.memory_space<hbm>> -> memref<10240xi32, #tpu.memory_space<hbm>>
      %dma_wait3A_831 = tpu.memref_slice %arg4[%mul3A_2] : memref<327680xi32, #tpu.memory_space<hbm>> -> memref<10240xi32, #tpu.memory_space<hbm>>
      tpu.wait_dma2 semaphore(%run_scoped3A : memref<!tpu.dma_semaphore, #tpu.memory_space<semaphore_mem>>) src(%dma_wait3A_831 : memref<10240xi32, #tpu.memory_space<hbm>>) dst(%arg9 : memref<10240xi32, #tpu.memory_space<vmem>>)
      tpu.yield
    }) : () -> ()
    "tpu.region"() ({
      %run_scoped3A = tpu.sem_alloc : memref<!tpu.dma_semaphore, #tpu.memory_space<semaphore_mem>>
      tpu.enqueue_dma source(%arg5 : memref<20xi32, #tpu.memory_space<hbm>>) target(%arg10 : memref<20xi32, #tpu.memory_space<vmem>>) target_semaphore(%run_scoped3A : memref<!tpu.dma_semaphore, #tpu.memory_space<semaphore_mem>>)
      tpu.wait_dma2 semaphore(%run_scoped3A : memref<!tpu.dma_semaphore, #tpu.memory_space<semaphore_mem>>) src(%arg5 : memref<20xi32, #tpu.memory_space<hbm>>) dst(%arg10 : memref<20xi32, #tpu.memory_space<vmem>>)
      tpu.yield
    }) : () -> ()
    %dma_start3A = arith.constant 0 : i32
    %dma_start3A_3 = arith.constant 0 : i32
    %dma_start3A_4 = arith.constant 0 : i32
    %dma_start3A_5 = tpu.memref_slice %arg12[%dma_start3A, %dma_start3A_3, %dma_start3A_4] : memref<2x128x128xf32, #tpu.memory_space<vmem>> -> memref<1x128x128xf32, #tpu.memory_space<vmem>>
    %dma_start3A_6 = tpu.memref_squeeze %dma_start3A_5 : memref<1x128x128xf32, #tpu.memory_space<vmem>> -> memref<128x128xf32, #tpu.memory_space<vmem>>
    %dma_start3A_7 = arith.constant 0 : i32
    %dma_start3A_8 = tpu.memref_slice %arg8[%dma_start3A_7] : memref<10240xi32, #tpu.memory_space<vmem>> -> memref<128xi32, #tpu.memory_space<vmem>>
    %dma_start3A_9 = arith.constant 0 : i32
    %dma_start3A_10 = arith.constant 0 : i32
    %dma_start3A_11 = tpu.memref_slice %arg2[%dma_start3A_9, %dma_start3A_10] : memref<100000x128xf32, #tpu.memory_space<hbm>> -> memref<100000x128xf32, #tpu.memory_space<hbm>>
    tpu.enqueue_indirect_dma source(%dma_start3A_11 : memref<100000x128xf32, #tpu.memory_space<hbm>>) target(%dma_start3A_6 : memref<128x128xf32, #tpu.memory_space<vmem>>) offsets(%dma_start3A_8 : memref<128xi32, #tpu.memory_space<vmem>>) semaphore(%arg18 : memref<!tpu.dma_semaphore, #tpu.memory_space<semaphore_mem>>)
    %dma_start3A_12 = arith.constant 0 : i32
    %dma_start3A_13 = arith.constant 0 : i32
    %dma_start3A_14 = arith.constant 0 : i32
    %dma_start3A_15 = tpu.memref_slice %arg13[%dma_start3A_12, %dma_start3A_13, %dma_start3A_14] : memref<2x128x128xf32, #tpu.memory_space<vmem>> -> memref<1x128x128xf32, #tpu.memory_space<vmem>>
    %dma_start3A_16 = tpu.memref_squeeze %dma_start3A_15 : memref<1x128x128xf32, #tpu.memory_space<vmem>> -> memref<128x128xf32, #tpu.memory_space<vmem>>
    %dma_start3A_17 = arith.constant 0 : i32
    %dma_start3A_18 = tpu.memref_slice %arg9[%dma_start3A_17] : memref<10240xi32, #tpu.memory_space<vmem>> -> memref<128xi32, #tpu.memory_space<vmem>>
    %dma_start3A_19 = arith.constant 0 : i32
    %dma_start3A_20 = arith.constant 0 : i32
    %dma_start3A_21 = tpu.memref_slice %arg2[%dma_start3A_19, %dma_start3A_20] : memref<100000x128xf32, #tpu.memory_space<hbm>> -> memref<100000x128xf32, #tpu.memory_space<hbm>>
    tpu.enqueue_indirect_dma source(%dma_start3A_21 : memref<100000x128xf32, #tpu.memory_space<hbm>>) target(%dma_start3A_16 : memref<128x128xf32, #tpu.memory_space<vmem>>) offsets(%dma_start3A_18 : memref<128xi32, #tpu.memory_space<vmem>>) semaphore(%arg20 : memref<!tpu.dma_semaphore, #tpu.memory_space<semaphore_mem>>)
    %dma_start3A_22 = arith.constant 0 : i32
    %dma_start3A_23 = arith.constant 0 : i32
    %dma_start3A_24 = tpu.memref_slice %arg2[%dma_start3A_22, %dma_start3A_23] : memref<100000x128xf32, #tpu.memory_space<hbm>> -> memref<100000x128xf32, #tpu.memory_space<hbm>>
    tpu.enqueue_indirect_dma source(%dma_start3A_24 : memref<100000x128xf32, #tpu.memory_space<hbm>>) target(%arg11 : memref<20x128xf32, #tpu.memory_space<vmem>>) offsets(%arg10 : memref<20xi32, #tpu.memory_space<vmem>>) semaphore(%arg19 : memref<!tpu.dma_semaphore, #tpu.memory_space<semaphore_mem>>)
    %dma_wait3A = arith.constant 0 : i32
    %dma_wait3A_25 = arith.constant 0 : i32
    %dma_wait3A_26 = tpu.memref_slice %arg2[%dma_wait3A, %dma_wait3A_25] : memref<100000x128xf32, #tpu.memory_space<hbm>> -> memref<100000x128xf32, #tpu.memory_space<hbm>>
    tpu.wait_indirect_dma semaphore(%arg19 : memref<!tpu.dma_semaphore, #tpu.memory_space<semaphore_mem>>) src(%dma_wait3A_26 : memref<100000x128xf32, #tpu.memory_space<hbm>>) dst(%arg11 : memref<20x128xf32, #tpu.memory_space<vmem>>)
    %get3A = arith.constant 0 : i32
    %get3A_27 = arith.index_cast %get3A : i32 to index
    %get3A_28 = arith.constant 0 : index
    %get3A_29 = tpu.vector_load %arg11[%get3A_27, %get3A_28] {strides = array<i32>} : memref<20x128xf32, #tpu.memory_space<vmem>>, vector<16xf32>,
    %get3A_30 = arith.constant 1 : i32
    %get3A_31 = arith.index_cast %get3A_30 : i32 to index
    %get3A_32 = arith.constant 0 : index
    %get3A_33 = tpu.vector_load %arg11[%get3A_31, %get3A_32] {strides = array<i32>} : memref<20x128xf32, #tpu.memory_space<vmem>>, vector<16xf32>,
    %add3A_34 = arith.addf %get3A_29, %get3A_33 : vector<16xf32>
    %get3A_35 = arith.constant 2 : i32
    %get3A_36 = arith.index_cast %get3A_35 : i32 to index
    %get3A_37 = arith.constant 0 : index
    %get3A_38 = tpu.vector_load %arg11[%get3A_36, %get3A_37] {strides = array<i32>} : memref<20x128xf32, #tpu.memory_space<vmem>>, vector<16xf32>,
    %add3A_39 = arith.addf %add3A_34, %get3A_38 : vector<16xf32>
    %get3A_40 = arith.constant 3 : i32
    %get3A_41 = arith.index_cast %get3A_40 : i32 to index
    %get3A_42 = arith.constant 0 : index
    %get3A_43 = tpu.vector_load %arg11[%get3A_41, %get3A_42] {strides = array<i32>} : memref<20x128xf32, #tpu.memory_space<vmem>>, vector<16xf32>,
    %add3A_44 = arith.addf %add3A_39, %get3A_43 : vector<16xf32>
    %get3A_45 = arith.constant 4 : i32
    %get3A_46 = arith.index_cast %get3A_45 : i32 to index
    %get3A_47 = arith.constant 0 : index
    %get3A_48 = tpu.vector_load %arg11[%get3A_46, %get3A_47] {strides = array<i32>} : memref<20x128xf32, #tpu.memory_space<vmem>>, vector<16xf32>,
    %add3A_49 = arith.addf %add3A_44, %get3A_48 : vector<16xf32>
    %get3A_50 = arith.constant 5 : i32
    %get3A_51 = arith.index_cast %get3A_50 : i32 to index
    %get3A_52 = arith.constant 0 : index
    %get3A_53 = tpu.vector_load %arg11[%get3A_51, %get3A_52] {strides = array<i32>} : memref<20x128xf32, #tpu.memory_space<vmem>>, vector<16xf32>,
    %add3A_54 = arith.addf %add3A_49, %get3A_53 : vector<16xf32>
    %get3A_55 = arith.constant 6 : i32
    %get3A_56 = arith.index_cast %get3A_55 : i32 to index
    %get3A_57 = arith.constant 0 : index
    %get3A_58 = tpu.vector_load %arg11[%get3A_56, %get3A_57] {strides = array<i32>} : memref<20x128xf32, #tpu.memory_space<vmem>>, vector<16xf32>,
    %add3A_59 = arith.addf %add3A_54, %get3A_58 : vector<16xf32>
    %get3A_60 = arith.constant 7 : i32
    %get3A_61 = arith.index_cast %get3A_60 : i32 to index
    %get3A_62 = arith.constant 0 : index
    %get3A_63 = tpu.vector_load %arg11[%get3A_61, %get3A_62] {strides = array<i32>} : memref<20x128xf32, #tpu.memory_space<vmem>>, vector<16xf32>,
    %add3A_64 = arith.addf %add3A_59, %get3A_63 : vector<16xf32>
    %get3A_65 = arith.constant 8 : i32
    %get3A_66 = arith.index_cast %get3A_65 : i32 to index
    %get3A_67 = arith.constant 0 : index
    %get3A_68 = tpu.vector_load %arg11[%get3A_66, %get3A_67] {strides = array<i32>} : memref<20x128xf32, #tpu.memory_space<vmem>>, vector<16xf32>,
    %add3A_69 = arith.addf %add3A_64, %get3A_68 : vector<16xf32>
    %get3A_70 = arith.constant 9 : i32
    %get3A_71 = arith.index_cast %get3A_70 : i32 to index
    %get3A_72 = arith.constant 0 : index
    %get3A_73 = tpu.vector_load %arg11[%get3A_71, %get3A_72] {strides = array<i32>} : memref<20x128xf32, #tpu.memory_space<vmem>>, vector<16xf32>,
    %add3A_74 = arith.addf %add3A_69, %get3A_73 : vector<16xf32>
    %get3A_75 = arith.constant 10 : i32
    %get3A_76 = arith.index_cast %get3A_75 : i32 to index
    %get3A_77 = arith.constant 0 : index
    %get3A_78 = tpu.vector_load %arg11[%get3A_76, %get3A_77] {strides = array<i32>} : memref<20x128xf32, #tpu.memory_space<vmem>>, vector<16xf32>,
    %add3A_79 = arith.addf %add3A_74, %get3A_78 : vector<16xf32>
    %get3A_80 = arith.constant 11 : i32
    %get3A_81 = arith.index_cast %get3A_80 : i32 to index
    %get3A_82 = arith.constant 0 : index
    %get3A_83 = tpu.vector_load %arg11[%get3A_81, %get3A_82] {strides = array<i32>} : memref<20x128xf32, #tpu.memory_space<vmem>>, vector<16xf32>,
    %add3A_84 = arith.addf %add3A_79, %get3A_83 : vector<16xf32>
    %get3A_85 = arith.constant 12 : i32
    %get3A_86 = arith.index_cast %get3A_85 : i32 to index
    %get3A_87 = arith.constant 0 : index
    %get3A_88 = tpu.vector_load %arg11[%get3A_86, %get3A_87] {strides = array<i32>} : memref<20x128xf32, #tpu.memory_space<vmem>>, vector<16xf32>,
    %add3A_89 = arith.addf %add3A_84, %get3A_88 : vector<16xf32>
    %get3A_90 = arith.constant 13 : i32
    %get3A_91 = arith.index_cast %get3A_90 : i32 to index
    %get3A_92 = arith.constant 0 : index
    %get3A_93 = tpu.vector_load %arg11[%get3A_91, %get3A_92] {strides = array<i32>} : memref<20x128xf32, #tpu.memory_space<vmem>>, vector<16xf32>,
    %add3A_94 = arith.addf %add3A_89, %get3A_93 : vector<16xf32>
    %get3A_95 = arith.constant 14 : i32
    %get3A_96 = arith.index_cast %get3A_95 : i32 to index
    %get3A_97 = arith.constant 0 : index
    %get3A_98 = tpu.vector_load %arg11[%get3A_96, %get3A_97] {strides = array<i32>} : memref<20x128xf32, #tpu.memory_space<vmem>>, vector<16xf32>,
    %add3A_99 = arith.addf %add3A_94, %get3A_98 : vector<16xf32>
    %get3A_100 = arith.constant 15 : i32
    %get3A_101 = arith.index_cast %get3A_100 : i32 to index
    %get3A_102 = arith.constant 0 : index
    %get3A_103 = tpu.vector_load %arg11[%get3A_101, %get3A_102] {strides = array<i32>} : memref<20x128xf32, #tpu.memory_space<vmem>>, vector<16xf32>,
    %add3A_104 = arith.addf %add3A_99, %get3A_103 : vector<16xf32>
    %get3A_105 = arith.constant 16 : i32
    %get3A_106 = arith.index_cast %get3A_105 : i32 to index
    %get3A_107 = arith.constant 0 : index
    %get3A_108 = tpu.vector_load %arg11[%get3A_106, %get3A_107] {strides = array<i32>} : memref<20x128xf32, #tpu.memory_space<vmem>>, vector<16xf32>,
    %add3A_109 = arith.addf %add3A_104, %get3A_108 : vector<16xf32>
    %get3A_110 = arith.constant 17 : i32
    %get3A_111 = arith.index_cast %get3A_110 : i32 to index
    %get3A_112 = arith.constant 0 : index
    %get3A_113 = tpu.vector_load %arg11[%get3A_111, %get3A_112] {strides = array<i32>} : memref<20x128xf32, #tpu.memory_space<vmem>>, vector<16xf32>,
    %add3A_114 = arith.addf %add3A_109, %get3A_113 : vector<16xf32>
    %get3A_115 = arith.constant 18 : i32
    %get3A_116 = arith.index_cast %get3A_115 : i32 to index
    %get3A_117 = arith.constant 0 : index
    %get3A_118 = tpu.vector_load %arg11[%get3A_116, %get3A_117] {strides = array<i32>} : memref<20x128xf32, #tpu.memory_space<vmem>>, vector<16xf32>,
    %add3A_119 = arith.addf %add3A_114, %get3A_118 : vector<16xf32>
    %get3A_120 = arith.constant 19 : i32
    %get3A_121 = arith.index_cast %get3A_120 : i32 to index
    %get3A_122 = arith.constant 0 : index
    %get3A_123 = tpu.vector_load %arg11[%get3A_121, %get3A_122] {strides = array<i32>} : memref<20x128xf32, #tpu.memory_space<vmem>>, vector<16xf32>,
    %add3A_124 = arith.addf %add3A_119, %get3A_123 : vector<16xf32>
    %get3A_125 = arith.constant 0 : i32
    %get3A_126 = arith.index_cast %get3A_125 : i32 to index
    %get3A_127 = arith.constant 16 : index
    %get3A_128 = tpu.vector_load %arg11[%get3A_126, %get3A_127] {strides = array<i32>} : memref<20x128xf32, #tpu.memory_space<vmem>>, vector<16xf32>,
    %get3A_129 = arith.constant 1 : i32
    %get3A_130 = arith.index_cast %get3A_129 : i32 to index
    %get3A_131 = arith.constant 16 : index
    %get3A_132 = tpu.vector_load %arg11[%get3A_130, %get3A_131] {strides = array<i32>} : memref<20x128xf32, #tpu.memory_space<vmem>>, vector<16xf32>,
    %add3A_133 = arith.addf %get3A_128, %get3A_132 : vector<16xf32>
    %get3A_134 = arith.constant 2 : i32
    %get3A_135 = arith.index_cast %get3A_134 : i32 to index
    %get3A_136 = arith.constant 16 : index
    %get3A_137 = tpu.vector_load %arg11[%get3A_135, %get3A_136] {strides = array<i32>} : memref<20x128xf32, #tpu.memory_space<vmem>>, vector<16xf32>,
    %add3A_138 = arith.addf %add3A_133, %get3A_137 : vector<16xf32>
    %get3A_139 = arith.constant 3 : i32
    %get3A_140 = arith.index_cast %get3A_139 : i32 to index
    %get3A_141 = arith.constant 16 : index
    %get3A_142 = tpu.vector_load %arg11[%get3A_140, %get3A_141] {strides = array<i32>} : memref<20x128xf32, #tpu.memory_space<vmem>>, vector<16xf32>,
    %add3A_143 = arith.addf %add3A_138, %get3A_142 : vector<16xf32>
    %get3A_144 = arith.constant 4 : i32
    %get3A_145 = arith.index_cast %get3A_144 : i32 to index
    %get3A_146 = arith.constant 16 : index
    %get3A_147 = tpu.vector_load %arg11[%get3A_145, %get3A_146] {strides = array<i32>} : memref<20x128xf32, #tpu.memory_space<vmem>>, vector<16xf32>,
    %add3A_148 = arith.addf %add3A_143, %get3A_147 : vector<16xf32>
    %get3A_149 = arith.constant 5 : i32
    %get3A_150 = arith.index_cast %get3A_149 : i32 to index
    %get3A_151 = arith.constant 16 : index
    %get3A_152 = tpu.vector_load %arg11[%get3A_150, %get3A_151] {strides = array<i32>} : memref<20x128xf32, #tpu.memory_space<vmem>>, vector<16xf32>,
    %add3A_153 = arith.addf %add3A_148, %get3A_152 : vector<16xf32>
    %get3A_154 = arith.constant 6 : i32
    %get3A_155 = arith.index_cast %get3A_154 : i32 to index
    %get3A_156 = arith.constant 16 : index
    %get3A_157 = tpu.vector_load %arg11[%get3A_155, %get3A_156] {strides = array<i32>} : memref<20x128xf32, #tpu.memory_space<vmem>>, vector<16xf32>,
    %add3A_158 = arith.addf %add3A_153, %get3A_157 : vector<16xf32>
    %get3A_159 = arith.constant 7 : i32
    %get3A_160 = arith.index_cast %get3A_159 : i32 to index
    %get3A_161 = arith.constant 16 : index
    %get3A_162 = tpu.vector_load %arg11[%get3A_160, %get3A_161] {strides = array<i32>} : memref<20x128xf32, #tpu.memory_space<vmem>>, vector<16xf32>,
    %add3A_163 = arith.addf %add3A_158, %get3A_162 : vector<16xf32>
    %get3A_164 = arith.constant 8 : i32
    %get3A_165 = arith.index_cast %get3A_164 : i32 to index
    %get3A_166 = arith.constant 16 : index
    %get3A_167 = tpu.vector_load %arg11[%get3A_165, %get3A_166] {strides = array<i32>} : memref<20x128xf32, #tpu.memory_space<vmem>>, vector<16xf32>,
    %add3A_168 = arith.addf %add3A_163, %get3A_167 : vector<16xf32>
    %get3A_169 = arith.constant 9 : i32
    %get3A_170 = arith.index_cast %get3A_169 : i32 to index
    %get3A_171 = arith.constant 16 : index
    %get3A_172 = tpu.vector_load %arg11[%get3A_170, %get3A_171] {strides = array<i32>} : memref<20x128xf32, #tpu.memory_space<vmem>>, vector<16xf32>,
    %add3A_173 = arith.addf %add3A_168, %get3A_172 : vector<16xf32>
    %get3A_174 = arith.constant 10 : i32
    %get3A_175 = arith.index_cast %get3A_174 : i32 to index
    %get3A_176 = arith.constant 16 : index
    %get3A_177 = tpu.vector_load %arg11[%get3A_175, %get3A_176] {strides = array<i32>} : memref<20x128xf32, #tpu.memory_space<vmem>>, vector<16xf32>,
    %add3A_178 = arith.addf %add3A_173, %get3A_177 : vector<16xf32>
    %get3A_179 = arith.constant 11 : i32
    %get3A_180 = arith.index_cast %get3A_179 : i32 to index
    %get3A_181 = arith.constant 16 : index
    %get3A_182 = tpu.vector_load %arg11[%get3A_180, %get3A_181] {strides = array<i32>} : memref<20x128xf32, #tpu.memory_space<vmem>>, vector<16xf32>,
    %add3A_183 = arith.addf %add3A_178, %get3A_182 : vector<16xf32>
    %get3A_184 = arith.constant 12 : i32
    %get3A_185 = arith.index_cast %get3A_184 : i32 to index
    %get3A_186 = arith.constant 16 : index
    %get3A_187 = tpu.vector_load %arg11[%get3A_185, %get3A_186] {strides = array<i32>} : memref<20x128xf32, #tpu.memory_space<vmem>>, vector<16xf32>,
    %add3A_188 = arith.addf %add3A_183, %get3A_187 : vector<16xf32>
    %get3A_189 = arith.constant 13 : i32
    %get3A_190 = arith.index_cast %get3A_189 : i32 to index
    %get3A_191 = arith.constant 16 : index
    %get3A_192 = tpu.vector_load %arg11[%get3A_190, %get3A_191] {strides = array<i32>} : memref<20x128xf32, #tpu.memory_space<vmem>>, vector<16xf32>,
    %add3A_193 = arith.addf %add3A_188, %get3A_192 : vector<16xf32>
    %get3A_194 = arith.constant 14 : i32
    %get3A_195 = arith.index_cast %get3A_194 : i32 to index
    %get3A_196 = arith.constant 16 : index
    %get3A_197 = tpu.vector_load %arg11[%get3A_195, %get3A_196] {strides = array<i32>} : memref<20x128xf32, #tpu.memory_space<vmem>>, vector<16xf32>,
    %add3A_198 = arith.addf %add3A_193, %get3A_197 : vector<16xf32>
    %get3A_199 = arith.constant 15 : i32
    %get3A_200 = arith.index_cast %get3A_199 : i32 to index
    %get3A_201 = arith.constant 16 : index
    %get3A_202 = tpu.vector_load %arg11[%get3A_200, %get3A_201] {strides = array<i32>} : memref<20x128xf32, #tpu.memory_space<vmem>>, vector<16xf32>,
    %add3A_203 = arith.addf %add3A_198, %get3A_202 : vector<16xf32>
    %get3A_204 = arith.constant 16 : i32
    %get3A_205 = arith.index_cast %get3A_204 : i32 to index
    %get3A_206 = arith.constant 16 : index
    %get3A_207 = tpu.vector_load %arg11[%get3A_205, %get3A_206] {strides = array<i32>} : memref<20x128xf32, #tpu.memory_space<vmem>>, vector<16xf32>,
    %add3A_208 = arith.addf %add3A_203, %get3A_207 : vector<16xf32>
    %get3A_209 = arith.constant 17 : i32
    %get3A_210 = arith.index_cast %get3A_209 : i32 to index
    %get3A_211 = arith.constant 16 : index
    %get3A_212 = tpu.vector_load %arg11[%get3A_210, %get3A_211] {strides = array<i32>} : memref<20x128xf32, #tpu.memory_space<vmem>>, vector<16xf32>,
    %add3A_213 = arith.addf %add3A_208, %get3A_212 : vector<16xf32>
    %get3A_214 = arith.constant 18 : i32
    %get3A_215 = arith.index_cast %get3A_214 : i32 to index
    %get3A_216 = arith.constant 16 : index
    %get3A_217 = tpu.vector_load %arg11[%get3A_215, %get3A_216] {strides = array<i32>} : memref<20x128xf32, #tpu.memory_space<vmem>>, vector<16xf32>,
    %add3A_218 = arith.addf %add3A_213, %get3A_217 : vector<16xf32>
    %get3A_219 = arith.constant 19 : i32
    %get3A_220 = arith.index_cast %get3A_219 : i32 to index
    %get3A_221 = arith.constant 16 : index
    %get3A_222 = tpu.vector_load %arg11[%get3A_220, %get3A_221] {strides = array<i32>} : memref<20x128xf32, #tpu.memory_space<vmem>>, vector<16xf32>,
    %add3A_223 = arith.addf %add3A_218, %get3A_222 : vector<16xf32>
    %get3A_224 = arith.constant 0 : i32
    %get3A_225 = arith.index_cast %get3A_224 : i32 to index
    %get3A_226 = arith.constant 32 : index
    %get3A_227 = tpu.vector_load %arg11[%get3A_225, %get3A_226] {strides = array<i32>} : memref<20x128xf32, #tpu.memory_space<vmem>>, vector<16xf32>,
    %get3A_228 = arith.constant 1 : i32
    %get3A_229 = arith.index_cast %get3A_228 : i32 to index
    %get3A_230 = arith.constant 32 : index
    %get3A_231 = tpu.vector_load %arg11[%get3A_229, %get3A_230] {strides = array<i32>} : memref<20x128xf32, #tpu.memory_space<vmem>>, vector<16xf32>,
    %add3A_232 = arith.addf %get3A_227, %get3A_231 : vector<16xf32>
    %get3A_233 = arith.constant 2 : i32
    %get3A_234 = arith.index_cast %get3A_233 : i32 to index
    %get3A_235 = arith.constant 32 : index
    %get3A_236 = tpu.vector_load %arg11[%get3A_234, %get3A_235] {strides = array<i32>} : memref<20x128xf32, #tpu.memory_space<vmem>>, vector<16xf32>,
    %add3A_237 = arith.addf %add3A_232, %get3A_236 : vector<16xf32>
    %get3A_238 = arith.constant 3 : i32
    %get3A_239 = arith.index_cast %get3A_238 : i32 to index
    %get3A_240 = arith.constant 32 : index
    %get3A_241 = tpu.vector_load %arg11[%get3A_239, %get3A_240] {strides = array<i32>} : memref<20x128xf32, #tpu.memory_space<vmem>>, vector<16xf32>,
    %add3A_242 = arith.addf %add3A_237, %get3A_241 : vector<16xf32>
    %get3A_243 = arith.constant 4 : i32
    %get3A_244 = arith.index_cast %get3A_243 : i32 to index
    %get3A_245 = arith.constant 32 : index
    %get3A_246 = tpu.vector_load %arg11[%get3A_244, %get3A_245] {strides = array<i32>} : memref<20x128xf32, #tpu.memory_space<vmem>>, vector<16xf32>,
    %add3A_247 = arith.addf %add3A_242, %get3A_246 : vector<16xf32>
    %get3A_248 = arith.constant 5 : i32
    %get3A_249 = arith.index_cast %get3A_248 : i32 to index
    %get3A_250 = arith.constant 32 : index
    %get3A_251 = tpu.vector_load %arg11[%get3A_249, %get3A_250] {strides = array<i32>} : memref<20x128xf32, #tpu.memory_space<vmem>>, vector<16xf32>,
    %add3A_252 = arith.addf %add3A_247, %get3A_251 : vector<16xf32>
    %get3A_253 = arith.constant 6 : i32
    %get3A_254 = arith.index_cast %get3A_253 : i32 to index
    %get3A_255 = arith.constant 32 : index
    %get3A_256 = tpu.vector_load %arg11[%get3A_254, %get3A_255] {strides = array<i32>} : memref<20x128xf32, #tpu.memory_space<vmem>>, vector<16xf32>,
    %add3A_257 = arith.addf %add3A_252, %get3A_256 : vector<16xf32>
    %get3A_258 = arith.constant 7 : i32
    %get3A_259 = arith.index_cast %get3A_258 : i32 to index
    %get3A_260 = arith.constant 32 : index
    %get3A_261 = tpu.vector_load %arg11[%get3A_259, %get3A_260] {strides = array<i32>} : memref<20x128xf32, #tpu.memory_space<vmem>>, vector<16xf32>,
    %add3A_262 = arith.addf %add3A_257, %get3A_261 : vector<16xf32>
    %get3A_263 = arith.constant 8 : i32
    %get3A_264 = arith.index_cast %get3A_263 : i32 to index
    %get3A_265 = arith.constant 32 : index
    %get3A_266 = tpu.vector_load %arg11[%get3A_264, %get3A_265] {strides = array<i32>} : memref<20x128xf32, #tpu.memory_space<vmem>>, vector<16xf32>,
    %add3A_267 = arith.addf %add3A_262, %get3A_266 : vector<16xf32>
    %get3A_268 = arith.constant 9 : i32
    %get3A_269 = arith.index_cast %get3A_268 : i32 to index
    %get3A_270 = arith.constant 32 : index
    %get3A_271 = tpu.vector_load %arg11[%get3A_269, %get3A_270] {strides = array<i32>} : memref<20x128xf32, #tpu.memory_space<vmem>>, vector<16xf32>,
    %add3A_272 = arith.addf %add3A_267, %get3A_271 : vector<16xf32>
    %get3A_273 = arith.constant 10 : i32
    %get3A_274 = arith.index_cast %get3A_273 : i32 to index
    %get3A_275 = arith.constant 32 : index
    %get3A_276 = tpu.vector_load %arg11[%get3A_274, %get3A_275] {strides = array<i32>} : memref<20x128xf32, #tpu.memory_space<vmem>>, vector<16xf32>,
    %add3A_277 = arith.addf %add3A_272, %get3A_276 : vector<16xf32>
    %get3A_278 = arith.constant 11 : i32
    %get3A_279 = arith.index_cast %get3A_278 : i32 to index
    %get3A_280 = arith.constant 32 : index
    %get3A_281 = tpu.vector_load %arg11[%get3A_279, %get3A_280] {strides = array<i32>} : memref<20x128xf32, #tpu.memory_space<vmem>>, vector<16xf32>,
    %add3A_282 = arith.addf %add3A_277, %get3A_281 : vector<16xf32>
    %get3A_283 = arith.constant 12 : i32
    %get3A_284 = arith.index_cast %get3A_283 : i32 to index
    %get3A_285 = arith.constant 32 : index
    %get3A_286 = tpu.vector_load %arg11[%get3A_284, %get3A_285] {strides = array<i32>} : memref<20x128xf32, #tpu.memory_space<vmem>>, vector<16xf32>,
    %add3A_287 = arith.addf %add3A_282, %get3A_286 : vector<16xf32>
    %get3A_288 = arith.constant 13 : i32
    %get3A_289 = arith.index_cast %get3A_288 : i32 to index
    %get3A_290 = arith.constant 32 : index
    %get3A_291 = tpu.vector_load %arg11[%get3A_289, %get3A_290] {strides = array<i32>} : memref<20x128xf32, #tpu.memory_space<vmem>>, vector<16xf32>,
    %add3A_292 = arith.addf %add3A_287, %get3A_291 : vector<16xf32>
    %get3A_293 = arith.constant 14 : i32
    %get3A_294 = arith.index_cast %get3A_293 : i32 to index
    %get3A_295 = arith.constant 32 : index
    %get3A_296 = tpu.vector_load %arg11[%get3A_294, %get3A_295] {strides = array<i32>} : memref<20x128xf32, #tpu.memory_space<vmem>>, vector<16xf32>,
    %add3A_297 = arith.addf %add3A_292, %get3A_296 : vector<16xf32>
    %get3A_298 = arith.constant 15 : i32
    %get3A_299 = arith.index_cast %get3A_298 : i32 to index
    %get3A_300 = arith.constant 32 : index
    %get3A_301 = tpu.vector_load %arg11[%get3A_299, %get3A_300] {strides = array<i32>} : memref<20x128xf32, #tpu.memory_space<vmem>>, vector<16xf32>,
    %add3A_302 = arith.addf %add3A_297, %get3A_301 : vector<16xf32>
    %get3A_303 = arith.constant 16 : i32
    %get3A_304 = arith.index_cast %get3A_303 : i32 to index
    %get3A_305 = arith.constant 32 : index
    %get3A_306 = tpu.vector_load %arg11[%get3A_304, %get3A_305] {strides = array<i32>} : memref<20x128xf32, #tpu.memory_space<vmem>>, vector<16xf32>,
    %add3A_307 = arith.addf %add3A_302, %get3A_306 : vector<16xf32>
    %get3A_308 = arith.constant 17 : i32
    %get3A_309 = arith.index_cast %get3A_308 : i32 to index
    %get3A_310 = arith.constant 32 : index
    %get3A_311 = tpu.vector_load %arg11[%get3A_309, %get3A_310] {strides = array<i32>} : memref<20x128xf32, #tpu.memory_space<vmem>>, vector<16xf32>,
    %add3A_312 = arith.addf %add3A_307, %get3A_311 : vector<16xf32>
    %get3A_313 = arith.constant 18 : i32
    %get3A_314 = arith.index_cast %get3A_313 : i32 to index
    %get3A_315 = arith.constant 32 : index
    %get3A_316 = tpu.vector_load %arg11[%get3A_314, %get3A_315] {strides = array<i32>} : memref<20x128xf32, #tpu.memory_space<vmem>>, vector<16xf32>,
    %add3A_317 = arith.addf %add3A_312, %get3A_316 : vector<16xf32>
    %get3A_318 = arith.constant 19 : i32
    %get3A_319 = arith.index_cast %get3A_318 : i32 to index
    %get3A_320 = arith.constant 32 : index
    %get3A_321 = tpu.vector_load %arg11[%get3A_319, %get3A_320] {strides = array<i32>} : memref<20x128xf32, #tpu.memory_space<vmem>>, vector<16xf32>,
    %add3A_322 = arith.addf %add3A_317, %get3A_321 : vector<16xf32>
    %get3A_323 = arith.constant 0 : i32
    %get3A_324 = arith.index_cast %get3A_323 : i32 to index
    %get3A_325 = arith.constant 48 : index
    %get3A_326 = tpu.vector_load %arg11[%get3A_324, %get3A_325] {strides = array<i32>} : memref<20x128xf32, #tpu.memory_space<vmem>>, vector<16xf32>,
    %get3A_327 = arith.constant 1 : i32
    %get3A_328 = arith.index_cast %get3A_327 : i32 to index
    %get3A_329 = arith.constant 48 : index
    %get3A_330 = tpu.vector_load %arg11[%get3A_328, %get3A_329] {strides = array<i32>} : memref<20x128xf32, #tpu.memory_space<vmem>>, vector<16xf32>,
    %add3A_331 = arith.addf %get3A_326, %get3A_330 : vector<16xf32>
    %get3A_332 = arith.constant 2 : i32
    %get3A_333 = arith.index_cast %get3A_332 : i32 to index
    %get3A_334 = arith.constant 48 : index
    %get3A_335 = tpu.vector_load %arg11[%get3A_333, %get3A_334] {strides = array<i32>} : memref<20x128xf32, #tpu.memory_space<vmem>>, vector<16xf32>,
    %add3A_336 = arith.addf %add3A_331, %get3A_335 : vector<16xf32>
    %get3A_337 = arith.constant 3 : i32
    %get3A_338 = arith.index_cast %get3A_337 : i32 to index
    %get3A_339 = arith.constant 48 : index
    %get3A_340 = tpu.vector_load %arg11[%get3A_338, %get3A_339] {strides = array<i32>} : memref<20x128xf32, #tpu.memory_space<vmem>>, vector<16xf32>,
    %add3A_341 = arith.addf %add3A_336, %get3A_340 : vector<16xf32>
    %get3A_342 = arith.constant 4 : i32
    %get3A_343 = arith.index_cast %get3A_342 : i32 to index
    %get3A_344 = arith.constant 48 : index
    %get3A_345 = tpu.vector_load %arg11[%get3A_343, %get3A_344] {strides = array<i32>} : memref<20x128xf32, #tpu.memory_space<vmem>>, vector<16xf32>,
    %add3A_346 = arith.addf %add3A_341, %get3A_345 : vector<16xf32>
    %get3A_347 = arith.constant 5 : i32
    %get3A_348 = arith.index_cast %get3A_347 : i32 to index
    %get3A_349 = arith.constant 48 : index
    %get3A_350 = tpu.vector_load %arg11[%get3A_348, %get3A_349] {strides = array<i32>} : memref<20x128xf32, #tpu.memory_space<vmem>>, vector<16xf32>,
    %add3A_351 = arith.addf %add3A_346, %get3A_350 : vector<16xf32>
    %get3A_352 = arith.constant 6 : i32
    %get3A_353 = arith.index_cast %get3A_352 : i32 to index
    %get3A_354 = arith.constant 48 : index
    %get3A_355 = tpu.vector_load %arg11[%get3A_353, %get3A_354] {strides = array<i32>} : memref<20x128xf32, #tpu.memory_space<vmem>>, vector<16xf32>,
    %add3A_356 = arith.addf %add3A_351, %get3A_355 : vector<16xf32>
    %get3A_357 = arith.constant 7 : i32
    %get3A_358 = arith.index_cast %get3A_357 : i32 to index
    %get3A_359 = arith.constant 48 : index
    %get3A_360 = tpu.vector_load %arg11[%get3A_358, %get3A_359] {strides = array<i32>} : memref<20x128xf32, #tpu.memory_space<vmem>>, vector<16xf32>,
    %add3A_361 = arith.addf %add3A_356, %get3A_360 : vector<16xf32>
    %get3A_362 = arith.constant 8 : i32
    %get3A_363 = arith.index_cast %get3A_362 : i32 to index
    %get3A_364 = arith.constant 48 : index
    %get3A_365 = tpu.vector_load %arg11[%get3A_363, %get3A_364] {strides = array<i32>} : memref<20x128xf32, #tpu.memory_space<vmem>>, vector<16xf32>,
    %add3A_366 = arith.addf %add3A_361, %get3A_365 : vector<16xf32>
    %get3A_367 = arith.constant 9 : i32
    %get3A_368 = arith.index_cast %get3A_367 : i32 to index
    %get3A_369 = arith.constant 48 : index
    %get3A_370 = tpu.vector_load %arg11[%get3A_368, %get3A_369] {strides = array<i32>} : memref<20x128xf32, #tpu.memory_space<vmem>>, vector<16xf32>,
    %add3A_371 = arith.addf %add3A_366, %get3A_370 : vector<16xf32>
    %get3A_372 = arith.constant 10 : i32
    %get3A_373 = arith.index_cast %get3A_372 : i32 to index
    %get3A_374 = arith.constant 48 : index
    %get3A_375 = tpu.vector_load %arg11[%get3A_373, %get3A_374] {strides = array<i32>} : memref<20x128xf32, #tpu.memory_space<vmem>>, vector<16xf32>,
    %add3A_376 = arith.addf %add3A_371, %get3A_375 : vector<16xf32>
    %get3A_377 = arith.constant 11 : i32
    %get3A_378 = arith.index_cast %get3A_377 : i32 to index
    %get3A_379 = arith.constant 48 : index
    %get3A_380 = tpu.vector_load %arg11[%get3A_378, %get3A_379] {strides = array<i32>} : memref<20x128xf32, #tpu.memory_space<vmem>>, vector<16xf32>,
    %add3A_381 = arith.addf %add3A_376, %get3A_380 : vector<16xf32>
    %get3A_382 = arith.constant 12 : i32
    %get3A_383 = arith.index_cast %get3A_382 : i32 to index
    %get3A_384 = arith.constant 48 : index
    %get3A_385 = tpu.vector_load %arg11[%get3A_383, %get3A_384] {strides = array<i32>} : memref<20x128xf32, #tpu.memory_space<vmem>>, vector<16xf32>,
    %add3A_386 = arith.addf %add3A_381, %get3A_385 : vector<16xf32>
    %get3A_387 = arith.constant 13 : i32
    %get3A_388 = arith.index_cast %get3A_387 : i32 to index
    %get3A_389 = arith.constant 48 : index
    %get3A_390 = tpu.vector_load %arg11[%get3A_388, %get3A_389] {strides = array<i32>} : memref<20x128xf32, #tpu.memory_space<vmem>>, vector<16xf32>,
    %add3A_391 = arith.addf %add3A_386, %get3A_390 : vector<16xf32>
    %get3A_392 = arith.constant 14 : i32
    %get3A_393 = arith.index_cast %get3A_392 : i32 to index
    %get3A_394 = arith.constant 48 : index
    %get3A_395 = tpu.vector_load %arg11[%get3A_393, %get3A_394] {strides = array<i32>} : memref<20x128xf32, #tpu.memory_space<vmem>>, vector<16xf32>,
    %add3A_396 = arith.addf %add3A_391, %get3A_395 : vector<16xf32>
    %get3A_397 = arith.constant 15 : i32
    %get3A_398 = arith.index_cast %get3A_397 : i32 to index
    %get3A_399 = arith.constant 48 : index
    %get3A_400 = tpu.vector_load %arg11[%get3A_398, %get3A_399] {strides = array<i32>} : memref<20x128xf32, #tpu.memory_space<vmem>>, vector<16xf32>,
    %add3A_401 = arith.addf %add3A_396, %get3A_400 : vector<16xf32>
    %get3A_402 = arith.constant 16 : i32
    %get3A_403 = arith.index_cast %get3A_402 : i32 to index
    %get3A_404 = arith.constant 48 : index
    %get3A_405 = tpu.vector_load %arg11[%get3A_403, %get3A_404] {strides = array<i32>} : memref<20x128xf32, #tpu.memory_space<vmem>>, vector<16xf32>,
    %add3A_406 = arith.addf %add3A_401, %get3A_405 : vector<16xf32>
    %get3A_407 = arith.constant 17 : i32
    %get3A_408 = arith.index_cast %get3A_407 : i32 to index
    %get3A_409 = arith.constant 48 : index
    %get3A_410 = tpu.vector_load %arg11[%get3A_408, %get3A_409] {strides = array<i32>} : memref<20x128xf32, #tpu.memory_space<vmem>>, vector<16xf32>,
    %add3A_411 = arith.addf %add3A_406, %get3A_410 : vector<16xf32>
    %get3A_412 = arith.constant 18 : i32
    %get3A_413 = arith.index_cast %get3A_412 : i32 to index
    %get3A_414 = arith.constant 48 : index
    %get3A_415 = tpu.vector_load %arg11[%get3A_413, %get3A_414] {strides = array<i32>} : memref<20x128xf32, #tpu.memory_space<vmem>>, vector<16xf32>,
    %add3A_416 = arith.addf %add3A_411, %get3A_415 : vector<16xf32>
    %get3A_417 = arith.constant 19 : i32
    %get3A_418 = arith.index_cast %get3A_417 : i32 to index
    %get3A_419 = arith.constant 48 : index
    %get3A_420 = tpu.vector_load %arg11[%get3A_418, %get3A_419] {strides = array<i32>} : memref<20x128xf32, #tpu.memory_space<vmem>>, vector<16xf32>,
    %add3A_421 = arith.addf %add3A_416, %get3A_420 : vector<16xf32>
    %get3A_422 = arith.constant 0 : i32
    %get3A_423 = arith.index_cast %get3A_422 : i32 to index
    %get3A_424 = arith.constant 64 : index
    %get3A_425 = tpu.vector_load %arg11[%get3A_423, %get3A_424] {strides = array<i32>} : memref<20x128xf32, #tpu.memory_space<vmem>>, vector<16xf32>,
    %get3A_426 = arith.constant 1 : i32
    %get3A_427 = arith.index_cast %get3A_426 : i32 to index
    %get3A_428 = arith.constant 64 : index
    %get3A_429 = tpu.vector_load %arg11[%get3A_427, %get3A_428] {strides = array<i32>} : memref<20x128xf32, #tpu.memory_space<vmem>>, vector<16xf32>,
    %add3A_430 = arith.addf %get3A_425, %get3A_429 : vector<16xf32>
    %get3A_431 = arith.constant 2 : i32
    %get3A_432 = arith.index_cast %get3A_431 : i32 to index
    %get3A_433 = arith.constant 64 : index
    %get3A_434 = tpu.vector_load %arg11[%get3A_432, %get3A_433] {strides = array<i32>} : memref<20x128xf32, #tpu.memory_space<vmem>>, vector<16xf32>,
    %add3A_435 = arith.addf %add3A_430, %get3A_434 : vector<16xf32>
    %get3A_436 = arith.constant 3 : i32
    %get3A_437 = arith.index_cast %get3A_436 : i32 to index
    %get3A_438 = arith.constant 64 : index
    %get3A_439 = tpu.vector_load %arg11[%get3A_437, %get3A_438] {strides = array<i32>} : memref<20x128xf32, #tpu.memory_space<vmem>>, vector<16xf32>,
    %add3A_440 = arith.addf %add3A_435, %get3A_439 : vector<16xf32>
    %get3A_441 = arith.constant 4 : i32
    %get3A_442 = arith.index_cast %get3A_441 : i32 to index
    %get3A_443 = arith.constant 64 : index
    %get3A_444 = tpu.vector_load %arg11[%get3A_442, %get3A_443] {strides = array<i32>} : memref<20x128xf32, #tpu.memory_space<vmem>>, vector<16xf32>,
    %add3A_445 = arith.addf %add3A_440, %get3A_444 : vector<16xf32>
    %get3A_446 = arith.constant 5 : i32
    %get3A_447 = arith.index_cast %get3A_446 : i32 to index
    %get3A_448 = arith.constant 64 : index
    %get3A_449 = tpu.vector_load %arg11[%get3A_447, %get3A_448] {strides = array<i32>} : memref<20x128xf32, #tpu.memory_space<vmem>>, vector<16xf32>,
    %add3A_450 = arith.addf %add3A_445, %get3A_449 : vector<16xf32>
    %get3A_451 = arith.constant 6 : i32
    %get3A_452 = arith.index_cast %get3A_451 : i32 to index
    %get3A_453 = arith.constant 64 : index
    %get3A_454 = tpu.vector_load %arg11[%get3A_452, %get3A_453] {strides = array<i32>} : memref<20x128xf32, #tpu.memory_space<vmem>>, vector<16xf32>,
    %add3A_455 = arith.addf %add3A_450, %get3A_454 : vector<16xf32>
    %get3A_456 = arith.constant 7 : i32
    %get3A_457 = arith.index_cast %get3A_456 : i32 to index
    %get3A_458 = arith.constant 64 : index
    %get3A_459 = tpu.vector_load %arg11[%get3A_457, %get3A_458] {strides = array<i32>} : memref<20x128xf32, #tpu.memory_space<vmem>>, vector<16xf32>,
    %add3A_460 = arith.addf %add3A_455, %get3A_459 : vector<16xf32>
    %get3A_461 = arith.constant 8 : i32
    %get3A_462 = arith.index_cast %get3A_461 : i32 to index
    %get3A_463 = arith.constant 64 : index
    %get3A_464 = tpu.vector_load %arg11[%get3A_462, %get3A_463] {strides = array<i32>} : memref<20x128xf32, #tpu.memory_space<vmem>>, vector<16xf32>,
    %add3A_465 = arith.addf %add3A_460, %get3A_464 : vector<16xf32>
    %get3A_466 = arith.constant 9 : i32
    %get3A_467 = arith.index_cast %get3A_466 : i32 to index
    %get3A_468 = arith.constant 64 : index
    %get3A_469 = tpu.vector_load %arg11[%get3A_467, %get3A_468] {strides = array<i32>} : memref<20x128xf32, #tpu.memory_space<vmem>>, vector<16xf32>,
    %add3A_470 = arith.addf %add3A_465, %get3A_469 : vector<16xf32>
    %get3A_471 = arith.constant 10 : i32
    %get3A_472 = arith.index_cast %get3A_471 : i32 to index
    %get3A_473 = arith.constant 64 : index
    %get3A_474 = tpu.vector_load %arg11[%get3A_472, %get3A_473] {strides = array<i32>} : memref<20x128xf32, #tpu.memory_space<vmem>>, vector<16xf32>,
    %add3A_475 = arith.addf %add3A_470, %get3A_474 : vector<16xf32>
    %get3A_476 = arith.constant 11 : i32
    %get3A_477 = arith.index_cast %get3A_476 : i32 to index
    %get3A_478 = arith.constant 64 : index
    %get3A_479 = tpu.vector_load %arg11[%get3A_477, %get3A_478] {strides = array<i32>} : memref<20x128xf32, #tpu.memory_space<vmem>>, vector<16xf32>,
    %add3A_480 = arith.addf %add3A_475, %get3A_479 : vector<16xf32>
    %get3A_481 = arith.constant 12 : i32
    %get3A_482 = arith.index_cast %get3A_481 : i32 to index
    %get3A_483 = arith.constant 64 : index
    %get3A_484 = tpu.vector_load %arg11[%get3A_482, %get3A_483] {strides = array<i32>} : memref<20x128xf32, #tpu.memory_space<vmem>>, vector<16xf32>,
    %add3A_485 = arith.addf %add3A_480, %get3A_484 : vector<16xf32>
    %get3A_486 = arith.constant 13 : i32
    %get3A_487 = arith.index_cast %get3A_486 : i32 to index
    %get3A_488 = arith.constant 64 : index
    %get3A_489 = tpu.vector_load %arg11[%get3A_487, %get3A_488] {strides = array<i32>} : memref<20x128xf32, #tpu.memory_space<vmem>>, vector<16xf32>,
    %add3A_490 = arith.addf %add3A_485, %get3A_489 : vector<16xf32>
    %get3A_491 = arith.constant 14 : i32
    %get3A_492 = arith.index_cast %get3A_491 : i32 to index
    %get3A_493 = arith.constant 64 : index
    %get3A_494 = tpu.vector_load %arg11[%get3A_492, %get3A_493] {strides = array<i32>} : memref<20x128xf32, #tpu.memory_space<vmem>>, vector<16xf32>,
    %add3A_495 = arith.addf %add3A_490, %get3A_494 : vector<16xf32>
    %get3A_496 = arith.constant 15 : i32
    %get3A_497 = arith.index_cast %get3A_496 : i32 to index
    %get3A_498 = arith.constant 64 : index
    %get3A_499 = tpu.vector_load %arg11[%get3A_497, %get3A_498] {strides = array<i32>} : memref<20x128xf32, #tpu.memory_space<vmem>>, vector<16xf32>,
    %add3A_500 = arith.addf %add3A_495, %get3A_499 : vector<16xf32>
    %get3A_501 = arith.constant 16 : i32
    %get3A_502 = arith.index_cast %get3A_501 : i32 to index
    %get3A_503 = arith.constant 64 : index
    %get3A_504 = tpu.vector_load %arg11[%get3A_502, %get3A_503] {strides = array<i32>} : memref<20x128xf32, #tpu.memory_space<vmem>>, vector<16xf32>,
    %add3A_505 = arith.addf %add3A_500, %get3A_504 : vector<16xf32>
    %get3A_506 = arith.constant 17 : i32
    %get3A_507 = arith.index_cast %get3A_506 : i32 to index
    %get3A_508 = arith.constant 64 : index
    %get3A_509 = tpu.vector_load %arg11[%get3A_507, %get3A_508] {strides = array<i32>} : memref<20x128xf32, #tpu.memory_space<vmem>>, vector<16xf32>,
    %add3A_510 = arith.addf %add3A_505, %get3A_509 : vector<16xf32>
    %get3A_511 = arith.constant 18 : i32
    %get3A_512 = arith.index_cast %get3A_511 : i32 to index
    %get3A_513 = arith.constant 64 : index
    %get3A_514 = tpu.vector_load %arg11[%get3A_512, %get3A_513] {strides = array<i32>} : memref<20x128xf32, #tpu.memory_space<vmem>>, vector<16xf32>,
    %add3A_515 = arith.addf %add3A_510, %get3A_514 : vector<16xf32>
    %get3A_516 = arith.constant 19 : i32
    %get3A_517 = arith.index_cast %get3A_516 : i32 to index
    %get3A_518 = arith.constant 64 : index
    %get3A_519 = tpu.vector_load %arg11[%get3A_517, %get3A_518] {strides = array<i32>} : memref<20x128xf32, #tpu.memory_space<vmem>>, vector<16xf32>,
    %add3A_520 = arith.addf %add3A_515, %get3A_519 : vector<16xf32>
    %get3A_521 = arith.constant 0 : i32
    %get3A_522 = arith.index_cast %get3A_521 : i32 to index
    %get3A_523 = arith.constant 80 : index
    %get3A_524 = tpu.vector_load %arg11[%get3A_522, %get3A_523] {strides = array<i32>} : memref<20x128xf32, #tpu.memory_space<vmem>>, vector<16xf32>,
    %get3A_525 = arith.constant 1 : i32
    %get3A_526 = arith.index_cast %get3A_525 : i32 to index
    %get3A_527 = arith.constant 80 : index
    %get3A_528 = tpu.vector_load %arg11[%get3A_526, %get3A_527] {strides = array<i32>} : memref<20x128xf32, #tpu.memory_space<vmem>>, vector<16xf32>,
    %add3A_529 = arith.addf %get3A_524, %get3A_528 : vector<16xf32>
    %get3A_530 = arith.constant 2 : i32
    %get3A_531 = arith.index_cast %get3A_530 : i32 to index
    %get3A_532 = arith.constant 80 : index
    %get3A_533 = tpu.vector_load %arg11[%get3A_531, %get3A_532] {strides = array<i32>} : memref<20x128xf32, #tpu.memory_space<vmem>>, vector<16xf32>,
    %add3A_534 = arith.addf %add3A_529, %get3A_533 : vector<16xf32>
    %get3A_535 = arith.constant 3 : i32
    %get3A_536 = arith.index_cast %get3A_535 : i32 to index
    %get3A_537 = arith.constant 80 : index
    %get3A_538 = tpu.vector_load %arg11[%get3A_536, %get3A_537] {strides = array<i32>} : memref<20x128xf32, #tpu.memory_space<vmem>>, vector<16xf32>,
    %add3A_539 = arith.addf %add3A_534, %get3A_538 : vector<16xf32>
    %get3A_540 = arith.constant 4 : i32
    %get3A_541 = arith.index_cast %get3A_540 : i32 to index
    %get3A_542 = arith.constant 80 : index
    %get3A_543 = tpu.vector_load %arg11[%get3A_541, %get3A_542] {strides = array<i32>} : memref<20x128xf32, #tpu.memory_space<vmem>>, vector<16xf32>,
    %add3A_544 = arith.addf %add3A_539, %get3A_543 : vector<16xf32>
    %get3A_545 = arith.constant 5 : i32
    %get3A_546 = arith.index_cast %get3A_545 : i32 to index
    %get3A_547 = arith.constant 80 : index
    %get3A_548 = tpu.vector_load %arg11[%get3A_546, %get3A_547] {strides = array<i32>} : memref<20x128xf32, #tpu.memory_space<vmem>>, vector<16xf32>,
    %add3A_549 = arith.addf %add3A_544, %get3A_548 : vector<16xf32>
    %get3A_550 = arith.constant 6 : i32
    %get3A_551 = arith.index_cast %get3A_550 : i32 to index
    %get3A_552 = arith.constant 80 : index
    %get3A_553 = tpu.vector_load %arg11[%get3A_551, %get3A_552] {strides = array<i32>} : memref<20x128xf32, #tpu.memory_space<vmem>>, vector<16xf32>,
    %add3A_554 = arith.addf %add3A_549, %get3A_553 : vector<16xf32>
    %get3A_555 = arith.constant 7 : i32
    %get3A_556 = arith.index_cast %get3A_555 : i32 to index
    %get3A_557 = arith.constant 80 : index
    %get3A_558 = tpu.vector_load %arg11[%get3A_556, %get3A_557] {strides = array<i32>} : memref<20x128xf32, #tpu.memory_space<vmem>>, vector<16xf32>,
    %add3A_559 = arith.addf %add3A_554, %get3A_558 : vector<16xf32>
    %get3A_560 = arith.constant 8 : i32
    %get3A_561 = arith.index_cast %get3A_560 : i32 to index
    %get3A_562 = arith.constant 80 : index
    %get3A_563 = tpu.vector_load %arg11[%get3A_561, %get3A_562] {strides = array<i32>} : memref<20x128xf32, #tpu.memory_space<vmem>>, vector<16xf32>,
    %add3A_564 = arith.addf %add3A_559, %get3A_563 : vector<16xf32>
    %get3A_565 = arith.constant 9 : i32
    %get3A_566 = arith.index_cast %get3A_565 : i32 to index
    %get3A_567 = arith.constant 80 : index
    %get3A_568 = tpu.vector_load %arg11[%get3A_566, %get3A_567] {strides = array<i32>} : memref<20x128xf32, #tpu.memory_space<vmem>>, vector<16xf32>,
    %add3A_569 = arith.addf %add3A_564, %get3A_568 : vector<16xf32>
    %get3A_570 = arith.constant 10 : i32
    %get3A_571 = arith.index_cast %get3A_570 : i32 to index
    %get3A_572 = arith.constant 80 : index
    %get3A_573 = tpu.vector_load %arg11[%get3A_571, %get3A_572] {strides = array<i32>} : memref<20x128xf32, #tpu.memory_space<vmem>>, vector<16xf32>,
    %add3A_574 = arith.addf %add3A_569, %get3A_573 : vector<16xf32>
    %get3A_575 = arith.constant 11 : i32
    %get3A_576 = arith.index_cast %get3A_575 : i32 to index
    %get3A_577 = arith.constant 80 : index
    %get3A_578 = tpu.vector_load %arg11[%get3A_576, %get3A_577] {strides = array<i32>} : memref<20x128xf32, #tpu.memory_space<vmem>>, vector<16xf32>,
    %add3A_579 = arith.addf %add3A_574, %get3A_578 : vector<16xf32>
    %get3A_580 = arith.constant 12 : i32
    %get3A_581 = arith.index_cast %get3A_580 : i32 to index
    %get3A_582 = arith.constant 80 : index
    %get3A_583 = tpu.vector_load %arg11[%get3A_581, %get3A_582] {strides = array<i32>} : memref<20x128xf32, #tpu.memory_space<vmem>>, vector<16xf32>,
    %add3A_584 = arith.addf %add3A_579, %get3A_583 : vector<16xf32>
    %get3A_585 = arith.constant 13 : i32
    %get3A_586 = arith.index_cast %get3A_585 : i32 to index
    %get3A_587 = arith.constant 80 : index
    %get3A_588 = tpu.vector_load %arg11[%get3A_586, %get3A_587] {strides = array<i32>} : memref<20x128xf32, #tpu.memory_space<vmem>>, vector<16xf32>,
    %add3A_589 = arith.addf %add3A_584, %get3A_588 : vector<16xf32>
    %get3A_590 = arith.constant 14 : i32
    %get3A_591 = arith.index_cast %get3A_590 : i32 to index
    %get3A_592 = arith.constant 80 : index
    %get3A_593 = tpu.vector_load %arg11[%get3A_591, %get3A_592] {strides = array<i32>} : memref<20x128xf32, #tpu.memory_space<vmem>>, vector<16xf32>,
    %add3A_594 = arith.addf %add3A_589, %get3A_593 : vector<16xf32>
    %get3A_595 = arith.constant 15 : i32
    %get3A_596 = arith.index_cast %get3A_595 : i32 to index
    %get3A_597 = arith.constant 80 : index
    %get3A_598 = tpu.vector_load %arg11[%get3A_596, %get3A_597] {strides = array<i32>} : memref<20x128xf32, #tpu.memory_space<vmem>>, vector<16xf32>,
    %add3A_599 = arith.addf %add3A_594, %get3A_598 : vector<16xf32>
    %get3A_600 = arith.constant 16 : i32
    %get3A_601 = arith.index_cast %get3A_600 : i32 to index
    %get3A_602 = arith.constant 80 : index
    %get3A_603 = tpu.vector_load %arg11[%get3A_601, %get3A_602] {strides = array<i32>} : memref<20x128xf32, #tpu.memory_space<vmem>>, vector<16xf32>,
    %add3A_604 = arith.addf %add3A_599, %get3A_603 : vector<16xf32>
    %get3A_605 = arith.constant 17 : i32
    %get3A_606 = arith.index_cast %get3A_605 : i32 to index
    %get3A_607 = arith.constant 80 : index
    %get3A_608 = tpu.vector_load %arg11[%get3A_606, %get3A_607] {strides = array<i32>} : memref<20x128xf32, #tpu.memory_space<vmem>>, vector<16xf32>,
    %add3A_609 = arith.addf %add3A_604, %get3A_608 : vector<16xf32>
    %get3A_610 = arith.constant 18 : i32
    %get3A_611 = arith.index_cast %get3A_610 : i32 to index
    %get3A_612 = arith.constant 80 : index
    %get3A_613 = tpu.vector_load %arg11[%get3A_611, %get3A_612] {strides = array<i32>} : memref<20x128xf32, #tpu.memory_space<vmem>>, vector<16xf32>,
    %add3A_614 = arith.addf %add3A_609, %get3A_613 : vector<16xf32>
    %get3A_615 = arith.constant 19 : i32
    %get3A_616 = arith.index_cast %get3A_615 : i32 to index
    %get3A_617 = arith.constant 80 : index
    %get3A_618 = tpu.vector_load %arg11[%get3A_616, %get3A_617] {strides = array<i32>} : memref<20x128xf32, #tpu.memory_space<vmem>>, vector<16xf32>,
    %add3A_619 = arith.addf %add3A_614, %get3A_618 : vector<16xf32>
    %get3A_620 = arith.constant 0 : i32
    %get3A_621 = arith.index_cast %get3A_620 : i32 to index
    %get3A_622 = arith.constant 96 : index
    %get3A_623 = tpu.vector_load %arg11[%get3A_621, %get3A_622] {strides = array<i32>} : memref<20x128xf32, #tpu.memory_space<vmem>>, vector<16xf32>,
    %get3A_624 = arith.constant 1 : i32
    %get3A_625 = arith.index_cast %get3A_624 : i32 to index
    %get3A_626 = arith.constant 96 : index
    %get3A_627 = tpu.vector_load %arg11[%get3A_625, %get3A_626] {strides = array<i32>} : memref<20x128xf32, #tpu.memory_space<vmem>>, vector<16xf32>,
    %add3A_628 = arith.addf %get3A_623, %get3A_627 : vector<16xf32>
    %get3A_629 = arith.constant 2 : i32
    %get3A_630 = arith.index_cast %get3A_629 : i32 to index
    %get3A_631 = arith.constant 96 : index
    %get3A_632 = tpu.vector_load %arg11[%get3A_630, %get3A_631] {strides = array<i32>} : memref<20x128xf32, #tpu.memory_space<vmem>>, vector<16xf32>,
    %add3A_633 = arith.addf %add3A_628, %get3A_632 : vector<16xf32>
    %get3A_634 = arith.constant 3 : i32
    %get3A_635 = arith.index_cast %get3A_634 : i32 to index
    %get3A_636 = arith.constant 96 : index
    %get3A_637 = tpu.vector_load %arg11[%get3A_635, %get3A_636] {strides = array<i32>} : memref<20x128xf32, #tpu.memory_space<vmem>>, vector<16xf32>,
    %add3A_638 = arith.addf %add3A_633, %get3A_637 : vector<16xf32>
    %get3A_639 = arith.constant 4 : i32
    %get3A_640 = arith.index_cast %get3A_639 : i32 to index
    %get3A_641 = arith.constant 96 : index
    %get3A_642 = tpu.vector_load %arg11[%get3A_640, %get3A_641] {strides = array<i32>} : memref<20x128xf32, #tpu.memory_space<vmem>>, vector<16xf32>,
    %add3A_643 = arith.addf %add3A_638, %get3A_642 : vector<16xf32>
    %get3A_644 = arith.constant 5 : i32
    %get3A_645 = arith.index_cast %get3A_644 : i32 to index
    %get3A_646 = arith.constant 96 : index
    %get3A_647 = tpu.vector_load %arg11[%get3A_645, %get3A_646] {strides = array<i32>} : memref<20x128xf32, #tpu.memory_space<vmem>>, vector<16xf32>,
    %add3A_648 = arith.addf %add3A_643, %get3A_647 : vector<16xf32>
    %get3A_649 = arith.constant 6 : i32
    %get3A_650 = arith.index_cast %get3A_649 : i32 to index
    %get3A_651 = arith.constant 96 : index
    %get3A_652 = tpu.vector_load %arg11[%get3A_650, %get3A_651] {strides = array<i32>} : memref<20x128xf32, #tpu.memory_space<vmem>>, vector<16xf32>,
    %add3A_653 = arith.addf %add3A_648, %get3A_652 : vector<16xf32>
    %get3A_654 = arith.constant 7 : i32
    %get3A_655 = arith.index_cast %get3A_654 : i32 to index
    %get3A_656 = arith.constant 96 : index
    %get3A_657 = tpu.vector_load %arg11[%get3A_655, %get3A_656] {strides = array<i32>} : memref<20x128xf32, #tpu.memory_space<vmem>>, vector<16xf32>,
    %add3A_658 = arith.addf %add3A_653, %get3A_657 : vector<16xf32>
    %get3A_659 = arith.constant 8 : i32
    %get3A_660 = arith.index_cast %get3A_659 : i32 to index
    %get3A_661 = arith.constant 96 : index
    %get3A_662 = tpu.vector_load %arg11[%get3A_660, %get3A_661] {strides = array<i32>} : memref<20x128xf32, #tpu.memory_space<vmem>>, vector<16xf32>,
    %add3A_663 = arith.addf %add3A_658, %get3A_662 : vector<16xf32>
    %get3A_664 = arith.constant 9 : i32
    %get3A_665 = arith.index_cast %get3A_664 : i32 to index
    %get3A_666 = arith.constant 96 : index
    %get3A_667 = tpu.vector_load %arg11[%get3A_665, %get3A_666] {strides = array<i32>} : memref<20x128xf32, #tpu.memory_space<vmem>>, vector<16xf32>,
    %add3A_668 = arith.addf %add3A_663, %get3A_667 : vector<16xf32>
    %get3A_669 = arith.constant 10 : i32
    %get3A_670 = arith.index_cast %get3A_669 : i32 to index
    %get3A_671 = arith.constant 96 : index
    %get3A_672 = tpu.vector_load %arg11[%get3A_670, %get3A_671] {strides = array<i32>} : memref<20x128xf32, #tpu.memory_space<vmem>>, vector<16xf32>,
    %add3A_673 = arith.addf %add3A_668, %get3A_672 : vector<16xf32>
    %get3A_674 = arith.constant 11 : i32
    %get3A_675 = arith.index_cast %get3A_674 : i32 to index
    %get3A_676 = arith.constant 96 : index
    %get3A_677 = tpu.vector_load %arg11[%get3A_675, %get3A_676] {strides = array<i32>} : memref<20x128xf32, #tpu.memory_space<vmem>>, vector<16xf32>,
    %add3A_678 = arith.addf %add3A_673, %get3A_677 : vector<16xf32>
    %get3A_679 = arith.constant 12 : i32
    %get3A_680 = arith.index_cast %get3A_679 : i32 to index
    %get3A_681 = arith.constant 96 : index
    %get3A_682 = tpu.vector_load %arg11[%get3A_680, %get3A_681] {strides = array<i32>} : memref<20x128xf32, #tpu.memory_space<vmem>>, vector<16xf32>,
    %add3A_683 = arith.addf %add3A_678, %get3A_682 : vector<16xf32>
    %get3A_684 = arith.constant 13 : i32
    %get3A_685 = arith.index_cast %get3A_684 : i32 to index
    %get3A_686 = arith.constant 96 : index
    %get3A_687 = tpu.vector_load %arg11[%get3A_685, %get3A_686] {strides = array<i32>} : memref<20x128xf32, #tpu.memory_space<vmem>>, vector<16xf32>,
    %add3A_688 = arith.addf %add3A_683, %get3A_687 : vector<16xf32>
    %get3A_689 = arith.constant 14 : i32
    %get3A_690 = arith.index_cast %get3A_689 : i32 to index
    %get3A_691 = arith.constant 96 : index
    %get3A_692 = tpu.vector_load %arg11[%get3A_690, %get3A_691] {strides = array<i32>} : memref<20x128xf32, #tpu.memory_space<vmem>>, vector<16xf32>,
    %add3A_693 = arith.addf %add3A_688, %get3A_692 : vector<16xf32>
    %get3A_694 = arith.constant 15 : i32
    %get3A_695 = arith.index_cast %get3A_694 : i32 to index
    %get3A_696 = arith.constant 96 : index
    %get3A_697 = tpu.vector_load %arg11[%get3A_695, %get3A_696] {strides = array<i32>} : memref<20x128xf32, #tpu.memory_space<vmem>>, vector<16xf32>,
    %add3A_698 = arith.addf %add3A_693, %get3A_697 : vector<16xf32>
    %get3A_699 = arith.constant 16 : i32
    %get3A_700 = arith.index_cast %get3A_699 : i32 to index
    %get3A_701 = arith.constant 96 : index
    %get3A_702 = tpu.vector_load %arg11[%get3A_700, %get3A_701] {strides = array<i32>} : memref<20x128xf32, #tpu.memory_space<vmem>>, vector<16xf32>,
    %add3A_703 = arith.addf %add3A_698, %get3A_702 : vector<16xf32>
    %get3A_704 = arith.constant 17 : i32
    %get3A_705 = arith.index_cast %get3A_704 : i32 to index
    %get3A_706 = arith.constant 96 : index
    %get3A_707 = tpu.vector_load %arg11[%get3A_705, %get3A_706] {strides = array<i32>} : memref<20x128xf32, #tpu.memory_space<vmem>>, vector<16xf32>,
    %add3A_708 = arith.addf %add3A_703, %get3A_707 : vector<16xf32>
    %get3A_709 = arith.constant 18 : i32
    %get3A_710 = arith.index_cast %get3A_709 : i32 to index
    %get3A_711 = arith.constant 96 : index
    %get3A_712 = tpu.vector_load %arg11[%get3A_710, %get3A_711] {strides = array<i32>} : memref<20x128xf32, #tpu.memory_space<vmem>>, vector<16xf32>,
    %add3A_713 = arith.addf %add3A_708, %get3A_712 : vector<16xf32>
    %get3A_714 = arith.constant 19 : i32
    %get3A_715 = arith.index_cast %get3A_714 : i32 to index
    %get3A_716 = arith.constant 96 : index
    %get3A_717 = tpu.vector_load %arg11[%get3A_715, %get3A_716] {strides = array<i32>} : memref<20x128xf32, #tpu.memory_space<vmem>>, vector<16xf32>,
    %add3A_718 = arith.addf %add3A_713, %get3A_717 : vector<16xf32>
    %get3A_719 = arith.constant 0 : i32
    %get3A_720 = arith.index_cast %get3A_719 : i32 to index
    %get3A_721 = arith.constant 112 : index
    %get3A_722 = tpu.vector_load %arg11[%get3A_720, %get3A_721] {strides = array<i32>} : memref<20x128xf32, #tpu.memory_space<vmem>>, vector<16xf32>,
    %get3A_723 = arith.constant 1 : i32
    %get3A_724 = arith.index_cast %get3A_723 : i32 to index
    %get3A_725 = arith.constant 112 : index
    %get3A_726 = tpu.vector_load %arg11[%get3A_724, %get3A_725] {strides = array<i32>} : memref<20x128xf32, #tpu.memory_space<vmem>>, vector<16xf32>,
    %add3A_727 = arith.addf %get3A_722, %get3A_726 : vector<16xf32>
    %get3A_728 = arith.constant 2 : i32
    %get3A_729 = arith.index_cast %get3A_728 : i32 to index
    %get3A_730 = arith.constant 112 : index
    %get3A_731 = tpu.vector_load %arg11[%get3A_729, %get3A_730] {strides = array<i32>} : memref<20x128xf32, #tpu.memory_space<vmem>>, vector<16xf32>,
    %add3A_732 = arith.addf %add3A_727, %get3A_731 : vector<16xf32>
    %get3A_733 = arith.constant 3 : i32
    %get3A_734 = arith.index_cast %get3A_733 : i32 to index
    %get3A_735 = arith.constant 112 : index
    %get3A_736 = tpu.vector_load %arg11[%get3A_734, %get3A_735] {strides = array<i32>} : memref<20x128xf32, #tpu.memory_space<vmem>>, vector<16xf32>,
    %add3A_737 = arith.addf %add3A_732, %get3A_736 : vector<16xf32>
    %get3A_738 = arith.constant 4 : i32
    %get3A_739 = arith.index_cast %get3A_738 : i32 to index
    %get3A_740 = arith.constant 112 : index
    %get3A_741 = tpu.vector_load %arg11[%get3A_739, %get3A_740] {strides = array<i32>} : memref<20x128xf32, #tpu.memory_space<vmem>>, vector<16xf32>,
    %add3A_742 = arith.addf %add3A_737, %get3A_741 : vector<16xf32>
    %get3A_743 = arith.constant 5 : i32
    %get3A_744 = arith.index_cast %get3A_743 : i32 to index
    %get3A_745 = arith.constant 112 : index
    %get3A_746 = tpu.vector_load %arg11[%get3A_744, %get3A_745] {strides = array<i32>} : memref<20x128xf32, #tpu.memory_space<vmem>>, vector<16xf32>,
    %add3A_747 = arith.addf %add3A_742, %get3A_746 : vector<16xf32>
    %get3A_748 = arith.constant 6 : i32
    %get3A_749 = arith.index_cast %get3A_748 : i32 to index
    %get3A_750 = arith.constant 112 : index
    %get3A_751 = tpu.vector_load %arg11[%get3A_749, %get3A_750] {strides = array<i32>} : memref<20x128xf32, #tpu.memory_space<vmem>>, vector<16xf32>,
    %add3A_752 = arith.addf %add3A_747, %get3A_751 : vector<16xf32>
    %get3A_753 = arith.constant 7 : i32
    %get3A_754 = arith.index_cast %get3A_753 : i32 to index
    %get3A_755 = arith.constant 112 : index
    %get3A_756 = tpu.vector_load %arg11[%get3A_754, %get3A_755] {strides = array<i32>} : memref<20x128xf32, #tpu.memory_space<vmem>>, vector<16xf32>,
    %add3A_757 = arith.addf %add3A_752, %get3A_756 : vector<16xf32>
    %get3A_758 = arith.constant 8 : i32
    %get3A_759 = arith.index_cast %get3A_758 : i32 to index
    %get3A_760 = arith.constant 112 : index
    %get3A_761 = tpu.vector_load %arg11[%get3A_759, %get3A_760] {strides = array<i32>} : memref<20x128xf32, #tpu.memory_space<vmem>>, vector<16xf32>,
    %add3A_762 = arith.addf %add3A_757, %get3A_761 : vector<16xf32>
    %get3A_763 = arith.constant 9 : i32
    %get3A_764 = arith.index_cast %get3A_763 : i32 to index
    %get3A_765 = arith.constant 112 : index
    %get3A_766 = tpu.vector_load %arg11[%get3A_764, %get3A_765] {strides = array<i32>} : memref<20x128xf32, #tpu.memory_space<vmem>>, vector<16xf32>,
    %add3A_767 = arith.addf %add3A_762, %get3A_766 : vector<16xf32>
    %get3A_768 = arith.constant 10 : i32
    %get3A_769 = arith.index_cast %get3A_768 : i32 to index
    %get3A_770 = arith.constant 112 : index
    %get3A_771 = tpu.vector_load %arg11[%get3A_769, %get3A_770] {strides = array<i32>} : memref<20x128xf32, #tpu.memory_space<vmem>>, vector<16xf32>,
    %add3A_772 = arith.addf %add3A_767, %get3A_771 : vector<16xf32>
    %get3A_773 = arith.constant 11 : i32
    %get3A_774 = arith.index_cast %get3A_773 : i32 to index
    %get3A_775 = arith.constant 112 : index
    %get3A_776 = tpu.vector_load %arg11[%get3A_774, %get3A_775] {strides = array<i32>} : memref<20x128xf32, #tpu.memory_space<vmem>>, vector<16xf32>,
    %add3A_777 = arith.addf %add3A_772, %get3A_776 : vector<16xf32>
    %get3A_778 = arith.constant 12 : i32
    %get3A_779 = arith.index_cast %get3A_778 : i32 to index
    %get3A_780 = arith.constant 112 : index
    %get3A_781 = tpu.vector_load %arg11[%get3A_779, %get3A_780] {strides = array<i32>} : memref<20x128xf32, #tpu.memory_space<vmem>>, vector<16xf32>,
    %add3A_782 = arith.addf %add3A_777, %get3A_781 : vector<16xf32>
    %get3A_783 = arith.constant 13 : i32
    %get3A_784 = arith.index_cast %get3A_783 : i32 to index
    %get3A_785 = arith.constant 112 : index
    %get3A_786 = tpu.vector_load %arg11[%get3A_784, %get3A_785] {strides = array<i32>} : memref<20x128xf32, #tpu.memory_space<vmem>>, vector<16xf32>,
    %add3A_787 = arith.addf %add3A_782, %get3A_786 : vector<16xf32>
    %get3A_788 = arith.constant 14 : i32
    %get3A_789 = arith.index_cast %get3A_788 : i32 to index
    %get3A_790 = arith.constant 112 : index
    %get3A_791 = tpu.vector_load %arg11[%get3A_789, %get3A_790] {strides = array<i32>} : memref<20x128xf32, #tpu.memory_space<vmem>>, vector<16xf32>,
    %add3A_792 = arith.addf %add3A_787, %get3A_791 : vector<16xf32>
    %get3A_793 = arith.constant 15 : i32
    %get3A_794 = arith.index_cast %get3A_793 : i32 to index
    %get3A_795 = arith.constant 112 : index
    %get3A_796 = tpu.vector_load %arg11[%get3A_794, %get3A_795] {strides = array<i32>} : memref<20x128xf32, #tpu.memory_space<vmem>>, vector<16xf32>,
    %add3A_797 = arith.addf %add3A_792, %get3A_796 : vector<16xf32>
    %get3A_798 = arith.constant 16 : i32
    %get3A_799 = arith.index_cast %get3A_798 : i32 to index
    %get3A_800 = arith.constant 112 : index
    %get3A_801 = tpu.vector_load %arg11[%get3A_799, %get3A_800] {strides = array<i32>} : memref<20x128xf32, #tpu.memory_space<vmem>>, vector<16xf32>,
    %add3A_802 = arith.addf %add3A_797, %get3A_801 : vector<16xf32>
    %get3A_803 = arith.constant 17 : i32
    %get3A_804 = arith.index_cast %get3A_803 : i32 to index
    %get3A_805 = arith.constant 112 : index
    %get3A_806 = tpu.vector_load %arg11[%get3A_804, %get3A_805] {strides = array<i32>} : memref<20x128xf32, #tpu.memory_space<vmem>>, vector<16xf32>,
    %add3A_807 = arith.addf %add3A_802, %get3A_806 : vector<16xf32>
    %get3A_808 = arith.constant 18 : i32
    %get3A_809 = arith.index_cast %get3A_808 : i32 to index
    %get3A_810 = arith.constant 112 : index
    %get3A_811 = tpu.vector_load %arg11[%get3A_809, %get3A_810] {strides = array<i32>} : memref<20x128xf32, #tpu.memory_space<vmem>>, vector<16xf32>,
    %add3A_812 = arith.addf %add3A_807, %get3A_811 : vector<16xf32>
    %get3A_813 = arith.constant 19 : i32
    %get3A_814 = arith.index_cast %get3A_813 : i32 to index
    %get3A_815 = arith.constant 112 : index
    %get3A_816 = tpu.vector_load %arg11[%get3A_814, %get3A_815] {strides = array<i32>} : memref<20x128xf32, #tpu.memory_space<vmem>>, vector<16xf32>,
    %add3A_817 = arith.addf %add3A_812, %get3A_816 : vector<16xf32>
    %iota3A = tpu.iota {dimensions = array<i32: 0>} : vector<16xi32>
    %mul3A_818 = arith.constant 16 : i32
    %mul3A_819 = vector.broadcast %mul3A_818 : i32 to vector<16xi32>
    %mul3A_820 = arith.muli %iota3A, %mul3A_819 : vector<16xi32>
    %eq3A = arith.constant 15 : i32
    %eq3A_821 = vector.broadcast %eq3A : i32 to vector<16xi32>
    %eq3A_822 = arith.cmpi eq, %iota3A, %eq3A_821 : vector<16xi32>
    %scan3A = arith.constant 0 : i32
    %scan3A_823 = arith.constant 0 : i32
    %scan3A_824 = arith.constant 40 : i32
    %scan3A_825 = arith.addi %scan3A_823, %scan3A_824 : i32
    %scan3A_826 = arith.constant 1 : i32
    scf.for %scan3A_828 = %scan3A_823 to %scan3A_825 step %scan3A_826  : i32 {
      %mul3A_829 = arith.constant 2 : i32
      %mul3A_830 = arith.muli %scan3A_828, %mul3A_829 : i32
      %add3A_831 = arith.constant 0 : i32
      %add3A_832 = arith.addi %mul3A_830, %add3A_831 : i32
      %add3A_833 = arith.constant 1 : i32
      %add3A_834 = arith.addi %add3A_832, %add3A_833 : i32
      %lt3A = arith.constant 80 : i32
      %lt3A_835 = arith.cmpi slt, %add3A_834, %lt3A : i32
      %convert_element_type3A = arith.extui %lt3A_835 : i1 to i32
      %cond3A = arith.constant 0 : i32
      %cond3A_836 = arith.cmpi ne, %convert_element_type3A, %cond3A : i32
      scf.if %cond3A_836 {
        %mul3A_923 = arith.constant 128 : i32
        %mul3A_924 = arith.muli %add3A_834, %mul3A_923 : i32
        %dma_start3A_925 = arith.constant 1 : i32
        %dma_start3A_926 = arith.constant 0 : i32
        %dma_start3A_927 = arith.constant 0 : i32
        %dma_start3A_928 = tpu.memref_slice %arg12[%dma_start3A_925, %dma_start3A_926, %dma_start3A_927] : memref<2x128x128xf32, #tpu.memory_space<vmem>> -> memref<1x128x128xf32, #tpu.memory_space<vmem>>
        %dma_start3A_929 = tpu.memref_squeeze %dma_start3A_928 : memref<1x128x128xf32, #tpu.memory_space<vmem>> -> memref<128x128xf32, #tpu.memory_space<vmem>>
        %dma_start3A_930 = tpu.memref_slice %arg8[%mul3A_924] : memref<10240xi32, #tpu.memory_space<vmem>> -> memref<128xi32, #tpu.memory_space<vmem>>
        %dma_start3A_931 = arith.constant 0 : i32
        %dma_start3A_932 = arith.constant 0 : i32
        %dma_start3A_933 = tpu.memref_slice %arg2[%dma_start3A_931, %dma_start3A_932] : memref<100000x128xf32, #tpu.memory_space<hbm>> -> memref<100000x128xf32, #tpu.memory_space<hbm>>
        tpu.enqueue_indirect_dma source(%dma_start3A_933 : memref<100000x128xf32, #tpu.memory_space<hbm>>) target(%dma_start3A_929 : memref<128x128xf32, #tpu.memory_space<vmem>>) offsets(%dma_start3A_930 : memref<128xi32, #tpu.memory_space<vmem>>) semaphore(%arg19 : memref<!tpu.dma_semaphore, #tpu.memory_space<semaphore_mem>>)
        %mul3A_934 = arith.constant 128 : i32
        %mul3A_935 = arith.muli %add3A_834, %mul3A_934 : i32
        %dma_start3A_936 = arith.constant 1 : i32
        %dma_start3A_937 = arith.constant 0 : i32
        %dma_start3A_938 = arith.constant 0 : i32
        %dma_start3A_939 = tpu.memref_slice %arg13[%dma_start3A_936, %dma_start3A_937, %dma_start3A_938] : memref<2x128x128xf32, #tpu.memory_space<vmem>> -> memref<1x128x128xf32, #tpu.memory_space<vmem>>
        %dma_start3A_940 = tpu.memref_squeeze %dma_start3A_939 : memref<1x128x128xf32, #tpu.memory_space<vmem>> -> memref<128x128xf32, #tpu.memory_space<vmem>>
        %dma_start3A_941 = tpu.memref_slice %arg9[%mul3A_935] : memref<10240xi32, #tpu.memory_space<vmem>> -> memref<128xi32, #tpu.memory_space<vmem>>
        %dma_start3A_942 = arith.constant 0 : i32
        %dma_start3A_943 = arith.constant 0 : i32
        %dma_start3A_944 = tpu.memref_slice %arg2[%dma_start3A_942, %dma_start3A_943] : memref<100000x128xf32, #tpu.memory_space<hbm>> -> memref<100000x128xf32, #tpu.memory_space<hbm>>
        tpu.enqueue_indirect_dma source(%dma_start3A_944 : memref<100000x128xf32, #tpu.memory_space<hbm>>) target(%dma_start3A_940 : memref<128x128xf32, #tpu.memory_space<vmem>>) offsets(%dma_start3A_941 : memref<128xi32, #tpu.memory_space<vmem>>) semaphore(%arg21 : memref<!tpu.dma_semaphore, #tpu.memory_space<semaphore_mem>>)
      } else {
      }
      %dma_wait3A_837 = arith.constant 0 : i32
      %dma_wait3A_838 = arith.constant 0 : i32
      %dma_wait3A_839 = arith.constant 0 : i32
      %dma_wait3A_840 = tpu.memref_slice %arg12[%dma_wait3A_837, %dma_wait3A_838, %dma_wait3A_839] : memref<2x128x128xf32, #tpu.memory_space<vmem>> -> memref<1x128x128xf32, #tpu.memory_space<vmem>>
      %dma_wait3A_841 = tpu.memref_squeeze %dma_wait3A_840 : memref<1x128x128xf32, #tpu.memory_space<vmem>> -> memref<128x128xf32, #tpu.memory_space<vmem>>
      %dma_wait3A_842 = arith.constant 0 : i32
      %dma_wait3A_843 = arith.constant 0 : i32
      %dma_wait3A_844 = tpu.memref_slice %arg2[%dma_wait3A_842, %dma_wait3A_843] : memref<100000x128xf32, #tpu.memory_space<hbm>> -> memref<128x128xf32, #tpu.memory_space<hbm>>
      %dma_wait3A_845 = arith.constant 0 : i32
      %dma_wait3A_846 = arith.constant 0 : i32
      %dma_wait3A_847 = tpu.memref_slice %arg12[%dma_wait3A_837, %dma_wait3A_845, %dma_wait3A_846] : memref<2x128x128xf32, #tpu.memory_space<vmem>> -> memref<1x128x128xf32, #tpu.memory_space<vmem>>
      %dma_wait3A_848 = tpu.memref_squeeze %dma_wait3A_847 : memref<1x128x128xf32, #tpu.memory_space<vmem>> -> memref<128x128xf32, #tpu.memory_space<vmem>>
      %dma_wait3A_849 = arith.constant 0 : i32
      %dma_wait3A_850 = arith.constant 0 : i32
      %dma_wait3A_851 = tpu.memref_slice %arg2[%dma_wait3A_849, %dma_wait3A_850] : memref<100000x128xf32, #tpu.memory_space<hbm>> -> memref<128x128xf32, #tpu.memory_space<hbm>>
      tpu.wait_dma2 semaphore(%arg18 : memref<!tpu.dma_semaphore, #tpu.memory_space<semaphore_mem>>) src(%dma_wait3A_851 : memref<128x128xf32, #tpu.memory_space<hbm>>) dst(%dma_wait3A_848 : memref<128x128xf32, #tpu.memory_space<vmem>>)
      %dma_wait3A_852 = arith.constant 0 : i32
      %dma_wait3A_853 = arith.constant 0 : i32
      %dma_wait3A_854 = arith.constant 0 : i32
      %dma_wait3A_855 = tpu.memref_slice %arg13[%dma_wait3A_852, %dma_wait3A_853, %dma_wait3A_854] : memref<2x128x128xf32, #tpu.memory_space<vmem>> -> memref<1x128x128xf32, #tpu.memory_space<vmem>>
      %dma_wait3A_856 = tpu.memref_squeeze %dma_wait3A_855 : memref<1x128x128xf32, #tpu.memory_space<vmem>> -> memref<128x128xf32, #tpu.memory_space<vmem>>
      %dma_wait3A_857 = arith.constant 0 : i32
      %dma_wait3A_858 = arith.constant 0 : i32
      %dma_wait3A_859 = tpu.memref_slice %arg2[%dma_wait3A_857, %dma_wait3A_858] : memref<100000x128xf32, #tpu.memory_space<hbm>> -> memref<128x128xf32, #tpu.memory_space<hbm>>
      %dma_wait3A_860 = arith.constant 0 : i32
      %dma_wait3A_861 = arith.constant 0 : i32
      %dma_wait3A_862 = tpu.memref_slice %arg13[%dma_wait3A_852, %dma_wait3A_860, %dma_wait3A_861] : memref<2x128x128xf32, #tpu.memory_space<vmem>> -> memref<1x128x128xf32, #tpu.memory_space<vmem>>
      %dma_wait3A_863 = tpu.memref_squeeze %dma_wait3A_862 : memref<1x128x128xf32, #tpu.memory_space<vmem>> -> memref<128x128xf32, #tpu.memory_space<vmem>>
      %dma_wait3A_864 = arith.constant 0 : i32
      %dma_wait3A_865 = arith.constant 0 : i32
      %dma_wait3A_866 = tpu.memref_slice %arg2[%dma_wait3A_864, %dma_wait3A_865] : memref<100000x128xf32, #tpu.memory_space<hbm>> -> memref<128x128xf32, #tpu.memory_space<hbm>>
      tpu.wait_dma2 semaphore(%arg20 : memref<!tpu.dma_semaphore, #tpu.memory_space<semaphore_mem>>) src(%dma_wait3A_866 : memref<128x128xf32, #tpu.memory_space<hbm>>) dst(%dma_wait3A_863 : memref<128x128xf32, #tpu.memory_space<vmem>>)
      %mul3A_867 = arith.constant 128 : i32
      %mul3A_868 = arith.muli %add3A_832, %mul3A_867 : i32
      %parallel_loop3A = arith.constant 0 : i32
      %parallel_loop3A_869 = arith.constant 128 : i32
      %parallel_loop3A_870 = arith.constant 1 : i32
      scf.for %parallel_loop3A_923 = %parallel_loop3A to %parallel_loop3A_869 step %parallel_loop3A_870  : i32 {
        %parallel_loop3A_924 = arith.constant 0 : i32
        %parallel_loop3A_925 = arith.index_cast %parallel_loop3A_924 : i32 to index
        %parallel_loop3A_926 = arith.index_cast %parallel_loop3A_923 : i32 to index
        %parallel_loop3A_927 = arith.constant 0 : index
        %parallel_loop3A_928 = tpu.vector_load %arg12[%parallel_loop3A_925, %parallel_loop3A_926, %parallel_loop3A_927] {strides = array<i32>} : memref<2x128x128xf32, #tpu.memory_space<vmem>>, vector<16xf32>,
        %parallel_loop3A_929 = arith.constant 0 : i32
        %parallel_loop3A_930 = arith.index_cast %parallel_loop3A_929 : i32 to index
        %parallel_loop3A_931 = arith.index_cast %parallel_loop3A_923 : i32 to index
        %parallel_loop3A_932 = arith.constant 16 : index
        %parallel_loop3A_933 = tpu.vector_load %arg12[%parallel_loop3A_930, %parallel_loop3A_931, %parallel_loop3A_932] {strides = array<i32>} : memref<2x128x128xf32, #tpu.memory_space<vmem>>, vector<16xf32>,
        %parallel_loop3A_934 = arith.constant 0 : i32
        %parallel_loop3A_935 = arith.index_cast %parallel_loop3A_934 : i32 to index
        %parallel_loop3A_936 = arith.index_cast %parallel_loop3A_923 : i32 to index
        %parallel_loop3A_937 = arith.constant 32 : index
        %parallel_loop3A_938 = tpu.vector_load %arg12[%parallel_loop3A_935, %parallel_loop3A_936, %parallel_loop3A_937] {strides = array<i32>} : memref<2x128x128xf32, #tpu.memory_space<vmem>>, vector<16xf32>,
        %parallel_loop3A_939 = arith.constant 0 : i32
        %parallel_loop3A_940 = arith.index_cast %parallel_loop3A_939 : i32 to index
        %parallel_loop3A_941 = arith.index_cast %parallel_loop3A_923 : i32 to index
        %parallel_loop3A_942 = arith.constant 48 : index
        %parallel_loop3A_943 = tpu.vector_load %arg12[%parallel_loop3A_940, %parallel_loop3A_941, %parallel_loop3A_942] {strides = array<i32>} : memref<2x128x128xf32, #tpu.memory_space<vmem>>, vector<16xf32>,
        %parallel_loop3A_944 = arith.constant 0 : i32
        %parallel_loop3A_945 = arith.index_cast %parallel_loop3A_944 : i32 to index
        %parallel_loop3A_946 = arith.index_cast %parallel_loop3A_923 : i32 to index
        %parallel_loop3A_947 = arith.constant 64 : index
        %parallel_loop3A_948 = tpu.vector_load %arg12[%parallel_loop3A_945, %parallel_loop3A_946, %parallel_loop3A_947] {strides = array<i32>} : memref<2x128x128xf32, #tpu.memory_space<vmem>>, vector<16xf32>,
        %parallel_loop3A_949 = arith.constant 0 : i32
        %parallel_loop3A_950 = arith.index_cast %parallel_loop3A_949 : i32 to index
        %parallel_loop3A_951 = arith.index_cast %parallel_loop3A_923 : i32 to index
        %parallel_loop3A_952 = arith.constant 80 : index
        %parallel_loop3A_953 = tpu.vector_load %arg12[%parallel_loop3A_950, %parallel_loop3A_951, %parallel_loop3A_952] {strides = array<i32>} : memref<2x128x128xf32, #tpu.memory_space<vmem>>, vector<16xf32>,
        %parallel_loop3A_954 = arith.constant 0 : i32
        %parallel_loop3A_955 = arith.index_cast %parallel_loop3A_954 : i32 to index
        %parallel_loop3A_956 = arith.index_cast %parallel_loop3A_923 : i32 to index
        %parallel_loop3A_957 = arith.constant 96 : index
        %parallel_loop3A_958 = tpu.vector_load %arg12[%parallel_loop3A_955, %parallel_loop3A_956, %parallel_loop3A_957] {strides = array<i32>} : memref<2x128x128xf32, #tpu.memory_space<vmem>>, vector<16xf32>,
        %parallel_loop3A_959 = arith.constant 0 : i32
        %parallel_loop3A_960 = arith.index_cast %parallel_loop3A_959 : i32 to index
        %parallel_loop3A_961 = arith.index_cast %parallel_loop3A_923 : i32 to index
        %parallel_loop3A_962 = arith.constant 112 : index
        %parallel_loop3A_963 = tpu.vector_load %arg12[%parallel_loop3A_960, %parallel_loop3A_961, %parallel_loop3A_962] {strides = array<i32>} : memref<2x128x128xf32, #tpu.memory_space<vmem>>, vector<16xf32>,
        %parallel_loop3A_964 = arith.constant 0 : i32
        %parallel_loop3A_965 = arith.index_cast %parallel_loop3A_964 : i32 to index
        %parallel_loop3A_966 = arith.index_cast %parallel_loop3A_923 : i32 to index
        %parallel_loop3A_967 = arith.constant 0 : index
        %parallel_loop3A_968 = tpu.vector_load %arg13[%parallel_loop3A_965, %parallel_loop3A_966, %parallel_loop3A_967] {strides = array<i32>} : memref<2x128x128xf32, #tpu.memory_space<vmem>>, vector<16xf32>,
        %parallel_loop3A_969 = arith.constant 0 : i32
        %parallel_loop3A_970 = arith.index_cast %parallel_loop3A_969 : i32 to index
        %parallel_loop3A_971 = arith.index_cast %parallel_loop3A_923 : i32 to index
        %parallel_loop3A_972 = arith.constant 16 : index
        %parallel_loop3A_973 = tpu.vector_load %arg13[%parallel_loop3A_970, %parallel_loop3A_971, %parallel_loop3A_972] {strides = array<i32>} : memref<2x128x128xf32, #tpu.memory_space<vmem>>, vector<16xf32>,
        %parallel_loop3A_974 = arith.constant 0 : i32
        %parallel_loop3A_975 = arith.index_cast %parallel_loop3A_974 : i32 to index
        %parallel_loop3A_976 = arith.index_cast %parallel_loop3A_923 : i32 to index
        %parallel_loop3A_977 = arith.constant 32 : index
        %parallel_loop3A_978 = tpu.vector_load %arg13[%parallel_loop3A_975, %parallel_loop3A_976, %parallel_loop3A_977] {strides = array<i32>} : memref<2x128x128xf32, #tpu.memory_space<vmem>>, vector<16xf32>,
        %parallel_loop3A_979 = arith.constant 0 : i32
        %parallel_loop3A_980 = arith.index_cast %parallel_loop3A_979 : i32 to index
        %parallel_loop3A_981 = arith.index_cast %parallel_loop3A_923 : i32 to index
        %parallel_loop3A_982 = arith.constant 48 : index
        %parallel_loop3A_983 = tpu.vector_load %arg13[%parallel_loop3A_980, %parallel_loop3A_981, %parallel_loop3A_982] {strides = array<i32>} : memref<2x128x128xf32, #tpu.memory_space<vmem>>, vector<16xf32>,
        %parallel_loop3A_984 = arith.constant 0 : i32
        %parallel_loop3A_985 = arith.index_cast %parallel_loop3A_984 : i32 to index
        %parallel_loop3A_986 = arith.index_cast %parallel_loop3A_923 : i32 to index
        %parallel_loop3A_987 = arith.constant 64 : index
        %parallel_loop3A_988 = tpu.vector_load %arg13[%parallel_loop3A_985, %parallel_loop3A_986, %parallel_loop3A_987] {strides = array<i32>} : memref<2x128x128xf32, #tpu.memory_space<vmem>>, vector<16xf32>,
        %parallel_loop3A_989 = arith.constant 0 : i32
        %parallel_loop3A_990 = arith.index_cast %parallel_loop3A_989 : i32 to index
        %parallel_loop3A_991 = arith.index_cast %parallel_loop3A_923 : i32 to index
        %parallel_loop3A_992 = arith.constant 80 : index
        %parallel_loop3A_993 = tpu.vector_load %arg13[%parallel_loop3A_990, %parallel_loop3A_991, %parallel_loop3A_992] {strides = array<i32>} : memref<2x128x128xf32, #tpu.memory_space<vmem>>, vector<16xf32>,
        %parallel_loop3A_994 = arith.constant 0 : i32
        %parallel_loop3A_995 = arith.index_cast %parallel_loop3A_994 : i32 to index
        %parallel_loop3A_996 = arith.index_cast %parallel_loop3A_923 : i32 to index
        %parallel_loop3A_997 = arith.constant 96 : index
        %parallel_loop3A_998 = tpu.vector_load %arg13[%parallel_loop3A_995, %parallel_loop3A_996, %parallel_loop3A_997] {strides = array<i32>} : memref<2x128x128xf32, #tpu.memory_space<vmem>>, vector<16xf32>,
        %parallel_loop3A_999 = arith.constant 0 : i32
        %parallel_loop3A_1000 = arith.index_cast %parallel_loop3A_999 : i32 to index
        %parallel_loop3A_1001 = arith.index_cast %parallel_loop3A_923 : i32 to index
        %parallel_loop3A_1002 = arith.constant 112 : index
        %parallel_loop3A_1003 = tpu.vector_load %arg13[%parallel_loop3A_1000, %parallel_loop3A_1001, %parallel_loop3A_1002] {strides = array<i32>} : memref<2x128x128xf32, #tpu.memory_space<vmem>>, vector<16xf32>,
        %parallel_loop3A_1004 = arith.mulf %parallel_loop3A_928, %parallel_loop3A_968 : vector<16xf32>
        %parallel_loop3A_1005 = arith.mulf %parallel_loop3A_928, %add3A_124 : vector<16xf32>
        %parallel_loop3A_1006 = arith.mulf %parallel_loop3A_933, %parallel_loop3A_973 : vector<16xf32>
        %parallel_loop3A_1007 = arith.addf %parallel_loop3A_1004, %parallel_loop3A_1006 : vector<16xf32>
        %parallel_loop3A_1008 = arith.mulf %parallel_loop3A_933, %add3A_223 : vector<16xf32>
        %parallel_loop3A_1009 = arith.addf %parallel_loop3A_1005, %parallel_loop3A_1008 : vector<16xf32>
        %parallel_loop3A_1010 = arith.mulf %parallel_loop3A_938, %parallel_loop3A_978 : vector<16xf32>
        %parallel_loop3A_1011 = arith.addf %parallel_loop3A_1007, %parallel_loop3A_1010 : vector<16xf32>
        %parallel_loop3A_1012 = arith.mulf %parallel_loop3A_938, %add3A_322 : vector<16xf32>
        %parallel_loop3A_1013 = arith.addf %parallel_loop3A_1009, %parallel_loop3A_1012 : vector<16xf32>
        %parallel_loop3A_1014 = arith.mulf %parallel_loop3A_943, %parallel_loop3A_983 : vector<16xf32>
        %parallel_loop3A_1015 = arith.addf %parallel_loop3A_1011, %parallel_loop3A_1014 : vector<16xf32>
        %parallel_loop3A_1016 = arith.mulf %parallel_loop3A_943, %add3A_421 : vector<16xf32>
        %parallel_loop3A_1017 = arith.addf %parallel_loop3A_1013, %parallel_loop3A_1016 : vector<16xf32>
        %parallel_loop3A_1018 = arith.mulf %parallel_loop3A_948, %parallel_loop3A_988 : vector<16xf32>
        %parallel_loop3A_1019 = arith.addf %parallel_loop3A_1015, %parallel_loop3A_1018 : vector<16xf32>
        %parallel_loop3A_1020 = arith.mulf %parallel_loop3A_948, %add3A_520 : vector<16xf32>
        %parallel_loop3A_1021 = arith.addf %parallel_loop3A_1017, %parallel_loop3A_1020 : vector<16xf32>
        %parallel_loop3A_1022 = arith.mulf %parallel_loop3A_953, %parallel_loop3A_993 : vector<16xf32>
        %parallel_loop3A_1023 = arith.addf %parallel_loop3A_1019, %parallel_loop3A_1022 : vector<16xf32>
        %parallel_loop3A_1024 = arith.mulf %parallel_loop3A_953, %add3A_619 : vector<16xf32>
        %parallel_loop3A_1025 = arith.addf %parallel_loop3A_1021, %parallel_loop3A_1024 : vector<16xf32>
        %parallel_loop3A_1026 = arith.mulf %parallel_loop3A_958, %parallel_loop3A_998 : vector<16xf32>
        %parallel_loop3A_1027 = arith.addf %parallel_loop3A_1023, %parallel_loop3A_1026 : vector<16xf32>
        %parallel_loop3A_1028 = arith.mulf %parallel_loop3A_958, %add3A_718 : vector<16xf32>
        %parallel_loop3A_1029 = arith.addf %parallel_loop3A_1025, %parallel_loop3A_1028 : vector<16xf32>
        %parallel_loop3A_1030 = arith.mulf %parallel_loop3A_963, %parallel_loop3A_1003 : vector<16xf32>
        %parallel_loop3A_1031 = arith.addf %parallel_loop3A_1027, %parallel_loop3A_1030 : vector<16xf32>
        %parallel_loop3A_1032 = arith.mulf %parallel_loop3A_963, %add3A_817 : vector<16xf32>
        %parallel_loop3A_1033 = arith.addf %parallel_loop3A_1029, %parallel_loop3A_1032 : vector<16xf32>
        %parallel_loop3A_1034 = arith.constant 16 : i32
        %parallel_loop3A_1035 = arith.muli %parallel_loop3A_923, %parallel_loop3A_1034 : i32
        %parallel_loop3A_1036 = arith.constant true
        %parallel_loop3A_1037 = vector.broadcast %parallel_loop3A_1036 : i1 to vector<16xi1>
        %parallel_loop3A_1038 = tpu.scan <sum>, %parallel_loop3A_1031 masked %parallel_loop3A_1037 : vector<16xf32>, vector<16xi1> -> vector<16xf32>
        %parallel_loop3A_1039 = arith.index_cast %parallel_loop3A_1035 : i32 to index
        %parallel_loop3A_1040 = tpu.vector_load %arg14[%parallel_loop3A_1039] masked %eq3A_822 {strides = array<i32>} : memref<2048xf32, #tpu.memory_space<vmem>>, vector<16xf32>, vector<16xi1>
        tpu.vector_store %arg14[%parallel_loop3A_1039], %parallel_loop3A_1038 masked %eq3A_822 {strides = array<i32>} : memref<2048xf32, #tpu.memory_space<vmem>>, vector<16xf32>, vector<16xi1>
        %parallel_loop3A_1041 = arith.constant 16 : i32
        %parallel_loop3A_1042 = arith.muli %parallel_loop3A_923, %parallel_loop3A_1041 : i32
        %parallel_loop3A_1043 = arith.constant true
        %parallel_loop3A_1044 = vector.broadcast %parallel_loop3A_1043 : i1 to vector<16xi1>
        %parallel_loop3A_1045 = tpu.scan <sum>, %parallel_loop3A_1033 masked %parallel_loop3A_1044 : vector<16xf32>, vector<16xi1> -> vector<16xf32>
        %parallel_loop3A_1046 = arith.index_cast %parallel_loop3A_1042 : i32 to index
        %parallel_loop3A_1047 = tpu.vector_load %arg15[%parallel_loop3A_1046] masked %eq3A_822 {strides = array<i32>} : memref<2048xf32, #tpu.memory_space<vmem>>, vector<16xf32>, vector<16xi1>
        tpu.vector_store %arg15[%parallel_loop3A_1046], %parallel_loop3A_1045 masked %eq3A_822 {strides = array<i32>} : memref<2048xf32, #tpu.memory_space<vmem>>, vector<16xf32>, vector<16xi1>
      } {sc.loop_unroll_factor = 4 : i64, sc.parallel_access}
      %parallel_loop3A_871 = arith.constant 0 : i32
      %parallel_loop3A_872 = arith.constant 8 : i32
      %parallel_loop3A_873 = arith.constant 1 : i32
      scf.for %parallel_loop3A_923 = %parallel_loop3A_871 to %parallel_loop3A_872 step %parallel_loop3A_873  : i32 {
        %parallel_loop3A_924 = arith.constant 256 : i32
        %parallel_loop3A_925 = arith.muli %parallel_loop3A_923, %parallel_loop3A_924 : i32
        %parallel_loop3A_926 = vector.broadcast %parallel_loop3A_925 : i32 to vector<16xi32>
        %parallel_loop3A_927 = arith.addi %parallel_loop3A_926, %mul3A_820 : vector<16xi32>
        %parallel_loop3A_928 = tpu.vector_load_idx %arg14[%parallel_loop3A_927] : memref<2048xf32, #tpu.memory_space<vmem>>[vector<16xi32>], vector<16xf32>,
        %parallel_loop3A_929 = arith.constant 16 : i32
        %parallel_loop3A_930 = arith.muli %parallel_loop3A_923, %parallel_loop3A_929 : i32
        %parallel_loop3A_931 = arith.addi %mul3A_868, %parallel_loop3A_930 : i32
        %parallel_loop3A_932 = arith.index_cast %parallel_loop3A_931 : i32 to index
        %parallel_loop3A_933 = tpu.vector_load %arg16[%parallel_loop3A_932] {strides = array<i32>} : memref<10240xf32, #tpu.memory_space<vmem>>, vector<16xf32>,
        tpu.vector_store %arg16[%parallel_loop3A_932], %parallel_loop3A_928 {strides = array<i32>} : memref<10240xf32, #tpu.memory_space<vmem>>, vector<16xf32>,
        %parallel_loop3A_934 = tpu.vector_load_idx %arg15[%parallel_loop3A_927] : memref<2048xf32, #tpu.memory_space<vmem>>[vector<16xi32>], vector<16xf32>,
        %parallel_loop3A_935 = arith.constant 16 : i32
        %parallel_loop3A_936 = arith.muli %parallel_loop3A_923, %parallel_loop3A_935 : i32
        %parallel_loop3A_937 = arith.addi %mul3A_868, %parallel_loop3A_936 : i32
        %parallel_loop3A_938 = arith.index_cast %parallel_loop3A_937 : i32 to index
        %parallel_loop3A_939 = tpu.vector_load %arg17[%parallel_loop3A_938] {strides = array<i32>} : memref<10240xf32, #tpu.memory_space<vmem>>, vector<16xf32>,
        tpu.vector_store %arg17[%parallel_loop3A_938], %parallel_loop3A_934 {strides = array<i32>} : memref<10240xf32, #tpu.memory_space<vmem>>, vector<16xf32>,
      } {sc.loop_unroll_factor = 2 : i64, sc.parallel_access}
      %mul3A_874 = arith.constant 2 : i32
      %mul3A_875 = arith.muli %scan3A_828, %mul3A_874 : i32
      %add3A_876 = arith.constant 1 : i32
      %add3A_877 = arith.addi %mul3A_875, %add3A_876 : i32
      %add3A_878 = arith.constant 1 : i32
      %add3A_879 = arith.addi %add3A_877, %add3A_878 : i32
      %lt3A_880 = arith.constant 80 : i32
      %lt3A_881 = arith.cmpi slt, %add3A_879, %lt3A_880 : i32
      %convert_element_type3A_882 = arith.extui %lt3A_881 : i1 to i32
      %cond3A_883 = arith.constant 0 : i32
      %cond3A_884 = arith.cmpi ne, %convert_element_type3A_882, %cond3A_883 : i32
      scf.if %cond3A_884 {
        %mul3A_923 = arith.constant 128 : i32
        %mul3A_924 = arith.muli %add3A_879, %mul3A_923 : i32
        %dma_start3A_925 = arith.constant 0 : i32
        %dma_start3A_926 = arith.constant 0 : i32
        %dma_start3A_927 = arith.constant 0 : i32
        %dma_start3A_928 = tpu.memref_slice %arg12[%dma_start3A_925, %dma_start3A_926, %dma_start3A_927] : memref<2x128x128xf32, #tpu.memory_space<vmem>> -> memref<1x128x128xf32, #tpu.memory_space<vmem>>
        %dma_start3A_929 = tpu.memref_squeeze %dma_start3A_928 : memref<1x128x128xf32, #tpu.memory_space<vmem>> -> memref<128x128xf32, #tpu.memory_space<vmem>>
        %dma_start3A_930 = tpu.memref_slice %arg8[%mul3A_924] : memref<10240xi32, #tpu.memory_space<vmem>> -> memref<128xi32, #tpu.memory_space<vmem>>
        %dma_start3A_931 = arith.constant 0 : i32
        %dma_start3A_932 = arith.constant 0 : i32
        %dma_start3A_933 = tpu.memref_slice %arg2[%dma_start3A_931, %dma_start3A_932] : memref<100000x128xf32, #tpu.memory_space<hbm>> -> memref<100000x128xf32, #tpu.memory_space<hbm>>
        tpu.enqueue_indirect_dma source(%dma_start3A_933 : memref<100000x128xf32, #tpu.memory_space<hbm>>) target(%dma_start3A_929 : memref<128x128xf32, #tpu.memory_space<vmem>>) offsets(%dma_start3A_930 : memref<128xi32, #tpu.memory_space<vmem>>) semaphore(%arg18 : memref<!tpu.dma_semaphore, #tpu.memory_space<semaphore_mem>>)
        %mul3A_934 = arith.constant 128 : i32
        %mul3A_935 = arith.muli %add3A_879, %mul3A_934 : i32
        %dma_start3A_936 = arith.constant 0 : i32
        %dma_start3A_937 = arith.constant 0 : i32
        %dma_start3A_938 = arith.constant 0 : i32
        %dma_start3A_939 = tpu.memref_slice %arg13[%dma_start3A_936, %dma_start3A_937, %dma_start3A_938] : memref<2x128x128xf32, #tpu.memory_space<vmem>> -> memref<1x128x128xf32, #tpu.memory_space<vmem>>
        %dma_start3A_940 = tpu.memref_squeeze %dma_start3A_939 : memref<1x128x128xf32, #tpu.memory_space<vmem>> -> memref<128x128xf32, #tpu.memory_space<vmem>>
        %dma_start3A_941 = tpu.memref_slice %arg9[%mul3A_935] : memref<10240xi32, #tpu.memory_space<vmem>> -> memref<128xi32, #tpu.memory_space<vmem>>
        %dma_start3A_942 = arith.constant 0 : i32
        %dma_start3A_943 = arith.constant 0 : i32
        %dma_start3A_944 = tpu.memref_slice %arg2[%dma_start3A_942, %dma_start3A_943] : memref<100000x128xf32, #tpu.memory_space<hbm>> -> memref<100000x128xf32, #tpu.memory_space<hbm>>
        tpu.enqueue_indirect_dma source(%dma_start3A_944 : memref<100000x128xf32, #tpu.memory_space<hbm>>) target(%dma_start3A_940 : memref<128x128xf32, #tpu.memory_space<vmem>>) offsets(%dma_start3A_941 : memref<128xi32, #tpu.memory_space<vmem>>) semaphore(%arg20 : memref<!tpu.dma_semaphore, #tpu.memory_space<semaphore_mem>>)
      } else {
      }
      %dma_wait3A_885 = arith.constant 1 : i32
      %dma_wait3A_886 = arith.constant 0 : i32
      %dma_wait3A_887 = arith.constant 0 : i32
      %dma_wait3A_888 = tpu.memref_slice %arg12[%dma_wait3A_885, %dma_wait3A_886, %dma_wait3A_887] : memref<2x128x128xf32, #tpu.memory_space<vmem>> -> memref<1x128x128xf32, #tpu.memory_space<vmem>>
      %dma_wait3A_889 = tpu.memref_squeeze %dma_wait3A_888 : memref<1x128x128xf32, #tpu.memory_space<vmem>> -> memref<128x128xf32, #tpu.memory_space<vmem>>
      %dma_wait3A_890 = arith.constant 0 : i32
      %dma_wait3A_891 = arith.constant 0 : i32
      %dma_wait3A_892 = tpu.memref_slice %arg2[%dma_wait3A_890, %dma_wait3A_891] : memref<100000x128xf32, #tpu.memory_space<hbm>> -> memref<128x128xf32, #tpu.memory_space<hbm>>
      %dma_wait3A_893 = arith.constant 0 : i32
      %dma_wait3A_894 = arith.constant 0 : i32
      %dma_wait3A_895 = tpu.memref_slice %arg12[%dma_wait3A_885, %dma_wait3A_893, %dma_wait3A_894] : memref<2x128x128xf32, #tpu.memory_space<vmem>> -> memref<1x128x128xf32, #tpu.memory_space<vmem>>
      %dma_wait3A_896 = tpu.memref_squeeze %dma_wait3A_895 : memref<1x128x128xf32, #tpu.memory_space<vmem>> -> memref<128x128xf32, #tpu.memory_space<vmem>>
      %dma_wait3A_897 = arith.constant 0 : i32
      %dma_wait3A_898 = arith.constant 0 : i32
      %dma_wait3A_899 = tpu.memref_slice %arg2[%dma_wait3A_897, %dma_wait3A_898] : memref<100000x128xf32, #tpu.memory_space<hbm>> -> memref<128x128xf32, #tpu.memory_space<hbm>>
      tpu.wait_dma2 semaphore(%arg19 : memref<!tpu.dma_semaphore, #tpu.memory_space<semaphore_mem>>) src(%dma_wait3A_899 : memref<128x128xf32, #tpu.memory_space<hbm>>) dst(%dma_wait3A_896 : memref<128x128xf32, #tpu.memory_space<vmem>>)
      %dma_wait3A_900 = arith.constant 1 : i32
      %dma_wait3A_901 = arith.constant 0 : i32
      %dma_wait3A_902 = arith.constant 0 : i32
      %dma_wait3A_903 = tpu.memref_slice %arg13[%dma_wait3A_900, %dma_wait3A_901, %dma_wait3A_902] : memref<2x128x128xf32, #tpu.memory_space<vmem>> -> memref<1x128x128xf32, #tpu.memory_space<vmem>>
      %dma_wait3A_904 = tpu.memref_squeeze %dma_wait3A_903 : memref<1x128x128xf32, #tpu.memory_space<vmem>> -> memref<128x128xf32, #tpu.memory_space<vmem>>
      %dma_wait3A_905 = arith.constant 0 : i32
      %dma_wait3A_906 = arith.constant 0 : i32
      %dma_wait3A_907 = tpu.memref_slice %arg2[%dma_wait3A_905, %dma_wait3A_906] : memref<100000x128xf32, #tpu.memory_space<hbm>> -> memref<128x128xf32, #tpu.memory_space<hbm>>
      %dma_wait3A_908 = arith.constant 0 : i32
      %dma_wait3A_909 = arith.constant 0 : i32
      %dma_wait3A_910 = tpu.memref_slice %arg13[%dma_wait3A_900, %dma_wait3A_908, %dma_wait3A_909] : memref<2x128x128xf32, #tpu.memory_space<vmem>> -> memref<1x128x128xf32, #tpu.memory_space<vmem>>
      %dma_wait3A_911 = tpu.memref_squeeze %dma_wait3A_910 : memref<1x128x128xf32, #tpu.memory_space<vmem>> -> memref<128x128xf32, #tpu.memory_space<vmem>>
      %dma_wait3A_912 = arith.constant 0 : i32
      %dma_wait3A_913 = arith.constant 0 : i32
      %dma_wait3A_914 = tpu.memref_slice %arg2[%dma_wait3A_912, %dma_wait3A_913] : memref<100000x128xf32, #tpu.memory_space<hbm>> -> memref<128x128xf32, #tpu.memory_space<hbm>>
      tpu.wait_dma2 semaphore(%arg21 : memref<!tpu.dma_semaphore, #tpu.memory_space<semaphore_mem>>) src(%dma_wait3A_914 : memref<128x128xf32, #tpu.memory_space<hbm>>) dst(%dma_wait3A_911 : memref<128x128xf32, #tpu.memory_space<vmem>>)
      %mul3A_915 = arith.constant 128 : i32
      %mul3A_916 = arith.muli %add3A_877, %mul3A_915 : i32
      %parallel_loop3A_917 = arith.constant 0 : i32
      %parallel_loop3A_918 = arith.constant 128 : i32
      %parallel_loop3A_919 = arith.constant 1 : i32
      scf.for %parallel_loop3A_923 = %parallel_loop3A_917 to %parallel_loop3A_918 step %parallel_loop3A_919  : i32 {
        %parallel_loop3A_924 = arith.constant 1 : i32
        %parallel_loop3A_925 = arith.index_cast %parallel_loop3A_924 : i32 to index
        %parallel_loop3A_926 = arith.index_cast %parallel_loop3A_923 : i32 to index
        %parallel_loop3A_927 = arith.constant 0 : index
        %parallel_loop3A_928 = tpu.vector_load %arg12[%parallel_loop3A_925, %parallel_loop3A_926, %parallel_loop3A_927] {strides = array<i32>} : memref<2x128x128xf32, #tpu.memory_space<vmem>>, vector<16xf32>,
        %parallel_loop3A_929 = arith.constant 1 : i32
        %parallel_loop3A_930 = arith.index_cast %parallel_loop3A_929 : i32 to index
        %parallel_loop3A_931 = arith.index_cast %parallel_loop3A_923 : i32 to index
        %parallel_loop3A_932 = arith.constant 16 : index
        %parallel_loop3A_933 = tpu.vector_load %arg12[%parallel_loop3A_930, %parallel_loop3A_931, %parallel_loop3A_932] {strides = array<i32>} : memref<2x128x128xf32, #tpu.memory_space<vmem>>, vector<16xf32>,
        %parallel_loop3A_934 = arith.constant 1 : i32
        %parallel_loop3A_935 = arith.index_cast %parallel_loop3A_934 : i32 to index
        %parallel_loop3A_936 = arith.index_cast %parallel_loop3A_923 : i32 to index
        %parallel_loop3A_937 = arith.constant 32 : index
        %parallel_loop3A_938 = tpu.vector_load %arg12[%parallel_loop3A_935, %parallel_loop3A_936, %parallel_loop3A_937] {strides = array<i32>} : memref<2x128x128xf32, #tpu.memory_space<vmem>>, vector<16xf32>,
        %parallel_loop3A_939 = arith.constant 1 : i32
        %parallel_loop3A_940 = arith.index_cast %parallel_loop3A_939 : i32 to index
        %parallel_loop3A_941 = arith.index_cast %parallel_loop3A_923 : i32 to index
        %parallel_loop3A_942 = arith.constant 48 : index
        %parallel_loop3A_943 = tpu.vector_load %arg12[%parallel_loop3A_940, %parallel_loop3A_941, %parallel_loop3A_942] {strides = array<i32>} : memref<2x128x128xf32, #tpu.memory_space<vmem>>, vector<16xf32>,
        %parallel_loop3A_944 = arith.constant 1 : i32
        %parallel_loop3A_945 = arith.index_cast %parallel_loop3A_944 : i32 to index
        %parallel_loop3A_946 = arith.index_cast %parallel_loop3A_923 : i32 to index
        %parallel_loop3A_947 = arith.constant 64 : index
        %parallel_loop3A_948 = tpu.vector_load %arg12[%parallel_loop3A_945, %parallel_loop3A_946, %parallel_loop3A_947] {strides = array<i32>} : memref<2x128x128xf32, #tpu.memory_space<vmem>>, vector<16xf32>,
        %parallel_loop3A_949 = arith.constant 1 : i32
        %parallel_loop3A_950 = arith.index_cast %parallel_loop3A_949 : i32 to index
        %parallel_loop3A_951 = arith.index_cast %parallel_loop3A_923 : i32 to index
        %parallel_loop3A_952 = arith.constant 80 : index
        %parallel_loop3A_953 = tpu.vector_load %arg12[%parallel_loop3A_950, %parallel_loop3A_951, %parallel_loop3A_952] {strides = array<i32>} : memref<2x128x128xf32, #tpu.memory_space<vmem>>, vector<16xf32>,
        %parallel_loop3A_954 = arith.constant 1 : i32
        %parallel_loop3A_955 = arith.index_cast %parallel_loop3A_954 : i32 to index
        %parallel_loop3A_956 = arith.index_cast %parallel_loop3A_923 : i32 to index
        %parallel_loop3A_957 = arith.constant 96 : index
        %parallel_loop3A_958 = tpu.vector_load %arg12[%parallel_loop3A_955, %parallel_loop3A_956, %parallel_loop3A_957] {strides = array<i32>} : memref<2x128x128xf32, #tpu.memory_space<vmem>>, vector<16xf32>,
        %parallel_loop3A_959 = arith.constant 1 : i32
        %parallel_loop3A_960 = arith.index_cast %parallel_loop3A_959 : i32 to index
        %parallel_loop3A_961 = arith.index_cast %parallel_loop3A_923 : i32 to index
        %parallel_loop3A_962 = arith.constant 112 : index
        %parallel_loop3A_963 = tpu.vector_load %arg12[%parallel_loop3A_960, %parallel_loop3A_961, %parallel_loop3A_962] {strides = array<i32>} : memref<2x128x128xf32, #tpu.memory_space<vmem>>, vector<16xf32>,
        %parallel_loop3A_964 = arith.constant 1 : i32
        %parallel_loop3A_965 = arith.index_cast %parallel_loop3A_964 : i32 to index
        %parallel_loop3A_966 = arith.index_cast %parallel_loop3A_923 : i32 to index
        %parallel_loop3A_967 = arith.constant 0 : index
        %parallel_loop3A_968 = tpu.vector_load %arg13[%parallel_loop3A_965, %parallel_loop3A_966, %parallel_loop3A_967] {strides = array<i32>} : memref<2x128x128xf32, #tpu.memory_space<vmem>>, vector<16xf32>,
        %parallel_loop3A_969 = arith.constant 1 : i32
        %parallel_loop3A_970 = arith.index_cast %parallel_loop3A_969 : i32 to index
        %parallel_loop3A_971 = arith.index_cast %parallel_loop3A_923 : i32 to index
        %parallel_loop3A_972 = arith.constant 16 : index
        %parallel_loop3A_973 = tpu.vector_load %arg13[%parallel_loop3A_970, %parallel_loop3A_971, %parallel_loop3A_972] {strides = array<i32>} : memref<2x128x128xf32, #tpu.memory_space<vmem>>, vector<16xf32>,
        %parallel_loop3A_974 = arith.constant 1 : i32
        %parallel_loop3A_975 = arith.index_cast %parallel_loop3A_974 : i32 to index
        %parallel_loop3A_976 = arith.index_cast %parallel_loop3A_923 : i32 to index
        %parallel_loop3A_977 = arith.constant 32 : index
        %parallel_loop3A_978 = tpu.vector_load %arg13[%parallel_loop3A_975, %parallel_loop3A_976, %parallel_loop3A_977] {strides = array<i32>} : memref<2x128x128xf32, #tpu.memory_space<vmem>>, vector<16xf32>,
        %parallel_loop3A_979 = arith.constant 1 : i32
        %parallel_loop3A_980 = arith.index_cast %parallel_loop3A_979 : i32 to index
        %parallel_loop3A_981 = arith.index_cast %parallel_loop3A_923 : i32 to index
        %parallel_loop3A_982 = arith.constant 48 : index
        %parallel_loop3A_983 = tpu.vector_load %arg13[%parallel_loop3A_980, %parallel_loop3A_981, %parallel_loop3A_982] {strides = array<i32>} : memref<2x128x128xf32, #tpu.memory_space<vmem>>, vector<16xf32>,
        %parallel_loop3A_984 = arith.constant 1 : i32
        %parallel_loop3A_985 = arith.index_cast %parallel_loop3A_984 : i32 to index
        %parallel_loop3A_986 = arith.index_cast %parallel_loop3A_923 : i32 to index
        %parallel_loop3A_987 = arith.constant 64 : index
        %parallel_loop3A_988 = tpu.vector_load %arg13[%parallel_loop3A_985, %parallel_loop3A_986, %parallel_loop3A_987] {strides = array<i32>} : memref<2x128x128xf32, #tpu.memory_space<vmem>>, vector<16xf32>,
        %parallel_loop3A_989 = arith.constant 1 : i32
        %parallel_loop3A_990 = arith.index_cast %parallel_loop3A_989 : i32 to index
        %parallel_loop3A_991 = arith.index_cast %parallel_loop3A_923 : i32 to index
        %parallel_loop3A_992 = arith.constant 80 : index
        %parallel_loop3A_993 = tpu.vector_load %arg13[%parallel_loop3A_990, %parallel_loop3A_991, %parallel_loop3A_992] {strides = array<i32>} : memref<2x128x128xf32, #tpu.memory_space<vmem>>, vector<16xf32>,
        %parallel_loop3A_994 = arith.constant 1 : i32
        %parallel_loop3A_995 = arith.index_cast %parallel_loop3A_994 : i32 to index
        %parallel_loop3A_996 = arith.index_cast %parallel_loop3A_923 : i32 to index
        %parallel_loop3A_997 = arith.constant 96 : index
        %parallel_loop3A_998 = tpu.vector_load %arg13[%parallel_loop3A_995, %parallel_loop3A_996, %parallel_loop3A_997] {strides = array<i32>} : memref<2x128x128xf32, #tpu.memory_space<vmem>>, vector<16xf32>,
        %parallel_loop3A_999 = arith.constant 1 : i32
        %parallel_loop3A_1000 = arith.index_cast %parallel_loop3A_999 : i32 to index
        %parallel_loop3A_1001 = arith.index_cast %parallel_loop3A_923 : i32 to index
        %parallel_loop3A_1002 = arith.constant 112 : index
        %parallel_loop3A_1003 = tpu.vector_load %arg13[%parallel_loop3A_1000, %parallel_loop3A_1001, %parallel_loop3A_1002] {strides = array<i32>} : memref<2x128x128xf32, #tpu.memory_space<vmem>>, vector<16xf32>,
        %parallel_loop3A_1004 = arith.mulf %parallel_loop3A_928, %parallel_loop3A_968 : vector<16xf32>
        %parallel_loop3A_1005 = arith.mulf %parallel_loop3A_928, %add3A_124 : vector<16xf32>
        %parallel_loop3A_1006 = arith.mulf %parallel_loop3A_933, %parallel_loop3A_973 : vector<16xf32>
        %parallel_loop3A_1007 = arith.addf %parallel_loop3A_1004, %parallel_loop3A_1006 : vector<16xf32>
        %parallel_loop3A_1008 = arith.mulf %parallel_loop3A_933, %add3A_223 : vector<16xf32>
        %parallel_loop3A_1009 = arith.addf %parallel_loop3A_1005, %parallel_loop3A_1008 : vector<16xf32>
        %parallel_loop3A_1010 = arith.mulf %parallel_loop3A_938, %parallel_loop3A_978 : vector<16xf32>
        %parallel_loop3A_1011 = arith.addf %parallel_loop3A_1007, %parallel_loop3A_1010 : vector<16xf32>
        %parallel_loop3A_1012 = arith.mulf %parallel_loop3A_938, %add3A_322 : vector<16xf32>
        %parallel_loop3A_1013 = arith.addf %parallel_loop3A_1009, %parallel_loop3A_1012 : vector<16xf32>
        %parallel_loop3A_1014 = arith.mulf %parallel_loop3A_943, %parallel_loop3A_983 : vector<16xf32>
        %parallel_loop3A_1015 = arith.addf %parallel_loop3A_1011, %parallel_loop3A_1014 : vector<16xf32>
        %parallel_loop3A_1016 = arith.mulf %parallel_loop3A_943, %add3A_421 : vector<16xf32>
        %parallel_loop3A_1017 = arith.addf %parallel_loop3A_1013, %parallel_loop3A_1016 : vector<16xf32>
        %parallel_loop3A_1018 = arith.mulf %parallel_loop3A_948, %parallel_loop3A_988 : vector<16xf32>
        %parallel_loop3A_1019 = arith.addf %parallel_loop3A_1015, %parallel_loop3A_1018 : vector<16xf32>
        %parallel_loop3A_1020 = arith.mulf %parallel_loop3A_948, %add3A_520 : vector<16xf32>
        %parallel_loop3A_1021 = arith.addf %parallel_loop3A_1017, %parallel_loop3A_1020 : vector<16xf32>
        %parallel_loop3A_1022 = arith.mulf %parallel_loop3A_953, %parallel_loop3A_993 : vector<16xf32>
        %parallel_loop3A_1023 = arith.addf %parallel_loop3A_1019, %parallel_loop3A_1022 : vector<16xf32>
        %parallel_loop3A_1024 = arith.mulf %parallel_loop3A_953, %add3A_619 : vector<16xf32>
        %parallel_loop3A_1025 = arith.addf %parallel_loop3A_1021, %parallel_loop3A_1024 : vector<16xf32>
        %parallel_loop3A_1026 = arith.mulf %parallel_loop3A_958, %parallel_loop3A_998 : vector<16xf32>
        %parallel_loop3A_1027 = arith.addf %parallel_loop3A_1023, %parallel_loop3A_1026 : vector<16xf32>
        %parallel_loop3A_1028 = arith.mulf %parallel_loop3A_958, %add3A_718 : vector<16xf32>
        %parallel_loop3A_1029 = arith.addf %parallel_loop3A_1025, %parallel_loop3A_1028 : vector<16xf32>
        %parallel_loop3A_1030 = arith.mulf %parallel_loop3A_963, %parallel_loop3A_1003 : vector<16xf32>
        %parallel_loop3A_1031 = arith.addf %parallel_loop3A_1027, %parallel_loop3A_1030 : vector<16xf32>
        %parallel_loop3A_1032 = arith.mulf %parallel_loop3A_963, %add3A_817 : vector<16xf32>
        %parallel_loop3A_1033 = arith.addf %parallel_loop3A_1029, %parallel_loop3A_1032 : vector<16xf32>
        %parallel_loop3A_1034 = arith.constant 16 : i32
        %parallel_loop3A_1035 = arith.muli %parallel_loop3A_923, %parallel_loop3A_1034 : i32
        %parallel_loop3A_1036 = arith.constant true
        %parallel_loop3A_1037 = vector.broadcast %parallel_loop3A_1036 : i1 to vector<16xi1>
        %parallel_loop3A_1038 = tpu.scan <sum>, %parallel_loop3A_1031 masked %parallel_loop3A_1037 : vector<16xf32>, vector<16xi1> -> vector<16xf32>
        %parallel_loop3A_1039 = arith.index_cast %parallel_loop3A_1035 : i32 to index
        %parallel_loop3A_1040 = tpu.vector_load %arg14[%parallel_loop3A_1039] masked %eq3A_822 {strides = array<i32>} : memref<2048xf32, #tpu.memory_space<vmem>>, vector<16xf32>, vector<16xi1>
        tpu.vector_store %arg14[%parallel_loop3A_1039], %parallel_loop3A_1038 masked %eq3A_822 {strides = array<i32>} : memref<2048xf32, #tpu.memory_space<vmem>>, vector<16xf32>, vector<16xi1>
        %parallel_loop3A_1041 = arith.constant 16 : i32
        %parallel_loop3A_1042 = arith.muli %parallel_loop3A_923, %parallel_loop3A_1041 : i32
        %parallel_loop3A_1043 = arith.constant true
        %parallel_loop3A_1044 = vector.broadcast %parallel_loop3A_1043 : i1 to vector<16xi1>
        %parallel_loop3A_1045 = tpu.scan <sum>, %parallel_loop3A_1033 masked %parallel_loop3A_1044 : vector<16xf32>, vector<16xi1> -> vector<16xf32>
        %parallel_loop3A_1046 = arith.index_cast %parallel_loop3A_1042 : i32 to index
        %parallel_loop3A_1047 = tpu.vector_load %arg15[%parallel_loop3A_1046] masked %eq3A_822 {strides = array<i32>} : memref<2048xf32, #tpu.memory_space<vmem>>, vector<16xf32>, vector<16xi1>
        tpu.vector_store %arg15[%parallel_loop3A_1046], %parallel_loop3A_1045 masked %eq3A_822 {strides = array<i32>} : memref<2048xf32, #tpu.memory_space<vmem>>, vector<16xf32>, vector<16xi1>
      } {sc.loop_unroll_factor = 4 : i64, sc.parallel_access}
      %parallel_loop3A_920 = arith.constant 0 : i32
      %parallel_loop3A_921 = arith.constant 8 : i32
      %parallel_loop3A_922 = arith.constant 1 : i32
      scf.for %parallel_loop3A_923 = %parallel_loop3A_920 to %parallel_loop3A_921 step %parallel_loop3A_922  : i32 {
        %parallel_loop3A_924 = arith.constant 256 : i32
        %parallel_loop3A_925 = arith.muli %parallel_loop3A_923, %parallel_loop3A_924 : i32
        %parallel_loop3A_926 = vector.broadcast %parallel_loop3A_925 : i32 to vector<16xi32>
        %parallel_loop3A_927 = arith.addi %parallel_loop3A_926, %mul3A_820 : vector<16xi32>
        %parallel_loop3A_928 = tpu.vector_load_idx %arg14[%parallel_loop3A_927] : memref<2048xf32, #tpu.memory_space<vmem>>[vector<16xi32>], vector<16xf32>,
        %parallel_loop3A_929 = arith.constant 16 : i32
        %parallel_loop3A_930 = arith.muli %parallel_loop3A_923, %parallel_loop3A_929 : i32
        %parallel_loop3A_931 = arith.addi %mul3A_916, %parallel_loop3A_930 : i32
        %parallel_loop3A_932 = arith.index_cast %parallel_loop3A_931 : i32 to index
        %parallel_loop3A_933 = tpu.vector_load %arg16[%parallel_loop3A_932] {strides = array<i32>} : memref<10240xf32, #tpu.memory_space<vmem>>, vector<16xf32>,
        tpu.vector_store %arg16[%parallel_loop3A_932], %parallel_loop3A_928 {strides = array<i32>} : memref<10240xf32, #tpu.memory_space<vmem>>, vector<16xf32>,
        %parallel_loop3A_934 = tpu.vector_load_idx %arg15[%parallel_loop3A_927] : memref<2048xf32, #tpu.memory_space<vmem>>[vector<16xi32>], vector<16xf32>,
        %parallel_loop3A_935 = arith.constant 16 : i32
        %parallel_loop3A_936 = arith.muli %parallel_loop3A_923, %parallel_loop3A_935 : i32
        %parallel_loop3A_937 = arith.addi %mul3A_916, %parallel_loop3A_936 : i32
        %parallel_loop3A_938 = arith.index_cast %parallel_loop3A_937 : i32 to index
        %parallel_loop3A_939 = tpu.vector_load %arg17[%parallel_loop3A_938] {strides = array<i32>} : memref<10240xf32, #tpu.memory_space<vmem>>, vector<16xf32>,
        tpu.vector_store %arg17[%parallel_loop3A_938], %parallel_loop3A_934 {strides = array<i32>} : memref<10240xf32, #tpu.memory_space<vmem>>, vector<16xf32>,
      } {sc.loop_unroll_factor = 2 : i64, sc.parallel_access}
    }
    %scan3A_827 = arith.constant 40 : i32
    "tpu.region"() ({
      %run_scoped3A = tpu.sem_alloc : memref<!tpu.dma_semaphore, #tpu.memory_space<semaphore_mem>>
      %dma_start3A_828 = tpu.memref_slice %arg6[%mul3A_2] : memref<327680xf32, #tpu.memory_space<hbm>> -> memref<10240xf32, #tpu.memory_space<hbm>>
      %dma_start3A_829 = tpu.memref_slice %arg6[%mul3A_2] : memref<327680xf32, #tpu.memory_space<hbm>> -> memref<10240xf32, #tpu.memory_space<hbm>>
      tpu.enqueue_dma source(%arg16 : memref<10240xf32, #tpu.memory_space<vmem>>) target(%dma_start3A_829 : memref<10240xf32, #tpu.memory_space<hbm>>) target_semaphore(%run_scoped3A : memref<!tpu.dma_semaphore, #tpu.memory_space<semaphore_mem>>)
      %dma_wait3A_830 = tpu.memref_slice %arg6[%mul3A_2] : memref<327680xf32, #tpu.memory_space<hbm>> -> memref<10240xf32, #tpu.memory_space<hbm>>
      %dma_wait3A_831 = tpu.memref_slice %arg6[%mul3A_2] : memref<327680xf32, #tpu.memory_space<hbm>> -> memref<10240xf32, #tpu.memory_space<hbm>>
      tpu.wait_dma2 semaphore(%run_scoped3A : memref<!tpu.dma_semaphore, #tpu.memory_space<semaphore_mem>>) src(%arg16 : memref<10240xf32, #tpu.memory_space<vmem>>) dst(%dma_wait3A_831 : memref<10240xf32, #tpu.memory_space<hbm>>)
      tpu.yield
    }) : () -> ()
    "tpu.region"() ({
      %run_scoped3A = tpu.sem_alloc : memref<!tpu.dma_semaphore, #tpu.memory_space<semaphore_mem>>
      %dma_start3A_828 = tpu.memref_slice %arg7[%mul3A_2] : memref<327680xf32, #tpu.memory_space<hbm>> -> memref<10240xf32, #tpu.memory_space<hbm>>
      %dma_start3A_829 = tpu.memref_slice %arg7[%mul3A_2] : memref<327680xf32, #tpu.memory_space<hbm>> -> memref<10240xf32, #tpu.memory_space<hbm>>
      tpu.enqueue_dma source(%arg17 : memref<10240xf32, #tpu.memory_space<vmem>>) target(%dma_start3A_829 : memref<10240xf32, #tpu.memory_space<hbm>>) target_semaphore(%run_scoped3A : memref<!tpu.dma_semaphore, #tpu.memory_space<semaphore_mem>>)
      %dma_wait3A_830 = tpu.memref_slice %arg7[%mul3A_2] : memref<327680xf32, #tpu.memory_space<hbm>> -> memref<10240xf32, #tpu.memory_space<hbm>>
      %dma_wait3A_831 = tpu.memref_slice %arg7[%mul3A_2] : memref<327680xf32, #tpu.memory_space<hbm>> -> memref<10240xf32, #tpu.memory_space<hbm>>
      tpu.wait_dma2 semaphore(%run_scoped3A : memref<!tpu.dma_semaphore, #tpu.memory_space<semaphore_mem>>) src(%arg17 : memref<10240xf32, #tpu.memory_space<vmem>>) dst(%dma_wait3A_831 : memref<10240xf32, #tpu.memory_space<hbm>>)
      tpu.yield
    }) : () -> ()
    return
  }
}

module attributes {stable_mosaic.version = 14 : i64} {
  func.func @_tc_loss_body(%arg0: i32, %arg1: memref<2560x128xf32, #tpu.memory_space<vmem>>, %arg2: memref<2560x128xf32, #tpu.memory_space<vmem>>, %arg3: memref<1x1xf32, #tpu.memory_space<vmem>>) attributes {dimension_semantics = [#tpu.dimension_semantics<arbitrary>], iteration_bounds = array<i64: 1>, scalar_prefetch = 0 : i64, scratch_operands = 0 : i64, tpu.core_type = #tpu.core_type<tc>, window_params = [{transform_indices = @transform_0, window_bounds = array<i64: 2560, 128>}, {transform_indices = @transform_1, window_bounds = array<i64: 2560, 128>}, {pipeline_mode = #tpu.pipeline_mode<synchronous>, transform_indices = @transform_2, window_bounds = array<i64: 1, 1>}]} {
    %eq3A = arith.constant 0 : i32
    %eq3A_0 = arith.cmpi eq, %arg0, %eq3A : i32
    %convert_element_type3A = arith.extui %eq3A_0 : i1 to i32
    %cond3A = arith.constant 0 : i32
    %cond3A_1 = arith.cmpi ne, %convert_element_type3A, %cond3A : i32
    scf.if %cond3A_1 {
      %broadcast_in_dim3A = arith.constant 0.000000e+00 : f32
      %broadcast_in_dim3A_47 = vector.broadcast %broadcast_in_dim3A : f32 to vector<1x1xf32>
      %swap3A_48 = arith.constant 0 : index
      %swap3A_49 = arith.constant 0 : index
      %swap3A_50 = vector.load %arg3[%swap3A_48, %swap3A_49] : memref<1x1xf32, #tpu.memory_space<vmem>>, vector<1x1xf32>
      tpu.vector_store %arg3[%swap3A_48, %swap3A_49], %broadcast_in_dim3A_47 {strides = array<i32>} : memref<1x1xf32, #tpu.memory_space<vmem>>, vector<1x1xf32>,
    } else {
    }
    %get3A = arith.constant 0 : index
    %get3A_2 = arith.constant 0 : index
    %get3A_3 = vector.load %arg1[%get3A, %get3A_2] : memref<2560x128xf32, #tpu.memory_space<vmem>>, vector<2560x128xf32>
    %get3A_4 = arith.constant 0 : index
    %get3A_5 = arith.constant 0 : index
    %get3A_6 = vector.load %arg2[%get3A_4, %get3A_5] : memref<2560x128xf32, #tpu.memory_space<vmem>>, vector<2560x128xf32>
    %max3A = arith.constant 0.000000e+00 : f32
    %max3A_7 = vector.broadcast %max3A : f32 to vector<2560x128xf32>
    %max3A_8 = arith.maximumf %get3A_3, %max3A_7 : vector<2560x128xf32>
    %sub3A = arith.subf %max3A_8, %get3A_3 : vector<2560x128xf32>
    %abs3A = math.absf %get3A_3 : vector<2560x128xf32>
    %neg3A = arith.constant 0.000000e+00 : f32
    %neg3A_9 = vector.broadcast %neg3A : f32 to vector<2560x128xf32>
    %neg3A_10 = arith.subf %neg3A_9, %abs3A : vector<2560x128xf32>
    %exp3A = math.exp %neg3A_10 : vector<2560x128xf32>
    %log1p3A = math.log1p %exp3A : vector<2560x128xf32>
    %add3A = arith.addf %sub3A, %log1p3A : vector<2560x128xf32>
    %neg3A_11 = arith.constant 0.000000e+00 : f32
    %neg3A_12 = vector.broadcast %neg3A_11 : f32 to vector<2560x128xf32>
    %neg3A_13 = arith.subf %neg3A_12, %get3A_6 : vector<2560x128xf32>
    %max3A_14 = arith.constant 0.000000e+00 : f32
    %max3A_15 = vector.broadcast %max3A_14 : f32 to vector<2560x128xf32>
    %max3A_16 = arith.maximumf %neg3A_13, %max3A_15 : vector<2560x128xf32>
    %abs3A_17 = math.absf %get3A_6 : vector<2560x128xf32>
    %neg3A_18 = arith.constant 0.000000e+00 : f32
    %neg3A_19 = vector.broadcast %neg3A_18 : f32 to vector<2560x128xf32>
    %neg3A_20 = arith.subf %neg3A_19, %abs3A_17 : vector<2560x128xf32>
    %exp3A_21 = math.exp %neg3A_20 : vector<2560x128xf32>
    %log1p3A_22 = math.log1p %exp3A_21 : vector<2560x128xf32>
    %add3A_23 = arith.addf %max3A_16, %log1p3A_22 : vector<2560x128xf32>
    %get3A_24 = arith.constant 0 : index
    %get3A_25 = arith.constant 0 : index
    %get3A_26 = vector.load %arg3[%get3A_24, %get3A_25] : memref<1x1xf32, #tpu.memory_space<vmem>>, vector<1x1xf32>
    %reduce_sum3A = vector.shape_cast %add3A : vector<2560x128xf32> to vector<1x2560x128xf32>
    %reduce_sum3A_27 = arith.constant dense<0.000000e+00> : vector<1xf32>
    %reduce_sum3A_28 = vector.multi_reduction <add>, %reduce_sum3A, %reduce_sum3A_27 [1, 2] : vector<1x2560x128xf32> to vector<1xf32>
    %reduce_sum3A_29 = vector.shape_cast %reduce_sum3A_28 : vector<1xf32> to vector<1x1x1xf32>
    %reduce_sum3A_30 = vector.extract %reduce_sum3A_29[0, 0, 0] : f32 from vector<1x1x1xf32>
    %reduce_sum3A_31 = vector.shape_cast %add3A_23 : vector<2560x128xf32> to vector<1x2560x128xf32>
    %reduce_sum3A_32 = arith.constant dense<0.000000e+00> : vector<1xf32>
    %reduce_sum3A_33 = vector.multi_reduction <add>, %reduce_sum3A_31, %reduce_sum3A_32 [1, 2] : vector<1x2560x128xf32> to vector<1xf32>
    %reduce_sum3A_34 = vector.shape_cast %reduce_sum3A_33 : vector<1xf32> to vector<1x1x1xf32>
    %reduce_sum3A_35 = vector.extract %reduce_sum3A_34[0, 0, 0] : f32 from vector<1x1x1xf32>
    %mul3A = arith.constant 1.000000e+01 : f32
    %mul3A_36 = arith.mulf %mul3A, %reduce_sum3A_35 : f32
    %add3A_37 = arith.addf %reduce_sum3A_30, %mul3A_36 : f32
    %add3A_38 = vector.broadcast %add3A_37 : f32 to vector<1x1xf32>
    %add3A_39 = arith.addf %get3A_26, %add3A_38 : vector<1x1xf32>
    %swap3A = arith.constant 0 : index
    %swap3A_40 = arith.constant 0 : index
    %swap3A_41 = vector.load %arg3[%swap3A, %swap3A_40] : memref<1x1xf32, #tpu.memory_space<vmem>>, vector<1x1xf32>
    tpu.vector_store %arg3[%swap3A, %swap3A_40], %add3A_39 {strides = array<i32>} : memref<1x1xf32, #tpu.memory_space<vmem>>, vector<1x1xf32>,
    %eq3A_42 = arith.constant 0 : i32
    %eq3A_43 = arith.cmpi eq, %arg0, %eq3A_42 : i32
    %convert_element_type3A_44 = arith.extui %eq3A_43 : i1 to i32
    %cond3A_45 = arith.constant 0 : i32
    %cond3A_46 = arith.cmpi ne, %convert_element_type3A_44, %cond3A_45 : i32
    scf.if %cond3A_46 {
      %get3A_47 = arith.constant 0 : index
      %get3A_48 = arith.constant 0 : index
      %get3A_49 = vector.load %arg3[%get3A_47, %get3A_48] : memref<1x1xf32, #tpu.memory_space<vmem>>, vector<1x1xf32>
      %mul3A_50 = arith.constant 3.05175786E-6 : f32
      %mul3A_51 = vector.broadcast %mul3A_50 : f32 to vector<1x1xf32>
      %mul3A_52 = arith.mulf %get3A_49, %mul3A_51 : vector<1x1xf32>
      %swap3A_53 = arith.constant 0 : index
      %swap3A_54 = arith.constant 0 : index
      %swap3A_55 = vector.load %arg3[%swap3A_53, %swap3A_54] : memref<1x1xf32, #tpu.memory_space<vmem>>, vector<1x1xf32>
      tpu.vector_store %arg3[%swap3A_53, %swap3A_54], %mul3A_52 {strides = array<i32>} : memref<1x1xf32, #tpu.memory_space<vmem>>, vector<1x1xf32>,
    } else {
    }
    return
  }
  func.func @transform_0(%arg0: i32) -> (i32, i32) {
    %c0_i32 = arith.constant 0 : i32
    %c0_i32_0 = arith.constant 0 : i32
    return %arg0, %c0_i32 : i32, i32
  }
  func.func @transform_1(%arg0: i32) -> (i32, i32) {
    %c0_i32 = arith.constant 0 : i32
    %c0_i32_0 = arith.constant 0 : i32
    return %arg0, %c0_i32 : i32, i32
  }
  func.func @transform_2(%arg0: i32) -> (i32, i32) {
    %c0_i32 = arith.constant 0 : i32
    %c0_i32_0 = arith.constant 0 : i32
    %c0_i32_1 = arith.constant 0 : i32
    return %c0_i32, %c0_i32_0 : i32, i32
  }
}

</mosaic_0001>

<sc_bundles>
// kernel: kernel.4.cloned.1.call-start
scs
__scs_entry_jumppad:
0x0: {  	(pc) =	sbr.rel $0x88, $3  }
0x1: {  	(tag) =	ssettag $0x0;
	lr =	simm.s32 $0x1  }
0x2: {  	[smem:$0x3F9D] =	sst lr;
	_ =	strace $0xD0000000  }
0x3: {  	_ = 	snop  }
0x4: {  	_ = 	snop  }
0x5: {  	_ = 	snop  }
0x6: {  	_ = 	snop  }
0x7: {  	_ = 	snop  }
__scs_overlays_trampoline_lowered:
0x8: {  	[smem:$0x3FAC] =	sst s0  }
0x9: {  	[smem:$0x3FAD] =	sst s1  }
0xa: {  	[smem:$0x3FAE] =	sst s2  }
0xb: {  	[smem:$0x3FAF] =	sst s3  }
0xc: {  	[smem:$0x3FB0] =	sst s4  }
0xd: {  	[smem:$0x3FB1] =	sst s5  }
0xe: {  	[smem:$0x3FB2] =	sst s6  }
0xf: {  	[smem:$0x3FB3] =	sst s7  }
0x10: {  	[smem:$0x3FB4] =	sst s8  }
0x11: {  	[smem:$0x3FB5] =	sst s9;
	s0 =	simm.s32 @!p0 $0x0  }
0x12: {  	s1 =	sld [smem:$0x3F9B];
	s0 =	simm.s32 @p0 $0x1  }
0x13: {  	[smem:$0x3FB6] =	sst s0;
	s0 =	simm.s32 @!p1 $0x0  }
0x14: {  	s2 =	sld [smem:$0x3F9A];
	s0 =	simm.s32 @p1 $0x1  }
0x15: {  	[smem:$0x3FB7] =	sst s0;
	s0 =	simm.s32 @!p2 $0x0  }
0x16: {  	s3 =	sld [smem:$0x3FDB];
	s0 =	simm.s32 @p2 $0x1  }
0x17: {  	s4 =	simm.s32 $0x1BF5;
	[smem:$0x3FB9] =	sst s0  }
0x18: {  	s0 =	sld [smem:$0x3F9C];
	_ =	swait.ge [sflag:s4], $0x0  }
0x19: {  	s7 =	sld [smem:$0x3F9D]  }
0x1a: {  	s8 =	sadd.s32 $0xFFFFE003, lr  }
0x1b: {  	s9 =	sadd.s32 $0xFFFFFEF7, lr;
	s5 =	simm.s32 $0xFFFFFFFF;
	p2 =	slt.u32 s8, $0xFFFFF086  }
0x1c: {  	p1 =	slt.u32 s9, $0xF7A;
	s5 =	simm.s32 @!p2 $0x0  }
0x1d: {  	s5 =	simm.s32 @p1 $0x1;
	p0 =	seq.s32 s7, s2  }
0x1e: {  	s7 =	smul.u32 @!p0 $0xF7A, s2;
	p2 =	seq.s32 @!p0 s5, $0x0  }
0x1f: {  	s9 =	smul.u32 $0xF7A, s1;
	s8 =	simm.s32 @!p0 $0x1BF5;
	p2 =	por !p2, p0  }
0x20: {  	[sflag:s8] =	ssyncset.s32 @!p0 $0xFFFFF086;
	s6 =	sadd.s32 @!p0 s3, s7;
	s7 =	simm.s32 @!p0 $0x108  }
0x21: {  	s3 =	sadd.s32 s3, s9;
	s6 =	sadd.s32 @!p0 $0x88, s6;
	s7 =	simm.s32 @p2 $0x1082  }
0x22: {  	[simem:s7], [sflag:s8] =	dma.local @!p0 [hbm:s6], $0xF7A  }
0x23: {  	s9 =	sor.u32 $0xD0000000, s2;
	s6 =	simm.s32 $0x108;
	_ =	swait.ge @!p0 [sflag:s8], $0x0  }
0x24: {  	s3 =	sadd.s32 $0x88, s3;
	s6 =	simm.s32 @!p1 $0x1082;
	[sflag:s4] =	ssyncset.s32 $0xFFFFF086  }
0x25: {  	[simem:s6], [sflag:s4] =	dma.local [hbm:s3], $0xF7A  }
0x26: {  	[smem:$0x3F9D] =	sst s1;
	(tag) =	ssettag s2;
	_ =	strace s9  }
0x27: {  	s1 =	sld [smem:$0x3FAD]  }
0x28: {  	s2 =	sld [smem:$0x3FAE]  }
0x29: {  	s4 =	sld [smem:$0x3FB0]  }
0x2a: {  	p0 =	seq.s32 s5, $0x0;
	s5 =	sld [smem:$0x3FB1]  }
0x2b: {  	s6 =	sld [smem:$0x3FB2]  }
0x2c: {  	s7 =	sld [smem:$0x3FB3]  }
0x2d: {  	s3 =	simm.s32 $0x108;
	s8 =	sld [smem:$0x3FB4]  }
0x2e: {  	s3 =	simm.s32 @!p0 $0x1082;
	s9 =	sld [smem:$0x3FB5]  }
0x2f: {  	lr =	sadd.s32 s0, s3;
	s0 =	sld [smem:$0x3FAC]  }
0x30: {  	s3 =	sld [smem:$0x3FAF]  }
0x31: {  	[smem:$0x3FB8] =	sst s10  }
0x32: {  	s10 =	sld [smem:$0x3FB6];
	_ =	sdelay $0x3  }
0x33: {  	p0 =	seq.s32 s10, $0x1;
	s10 =	sld [smem:$0x3FB8];
	_ =	sdelay $0x3  }
0x34: {  	[smem:$0x3FB8] =	sst s10  }
0x35: {  	s10 =	sld [smem:$0x3FB7];
	_ =	sdelay $0x3  }
0x36: {  	p1 =	seq.s32 s10, $0x1;
	s10 =	sld [smem:$0x3FB8];
	_ =	sdelay $0x3  }
0x37: {  	[smem:$0x3FB8] =	sst s10  }
0x38: {  	s10 =	sld [smem:$0x3FB9]  }
0x39: {  	_ = 	snop;
	(pc) =	sbr.ind lr, $3  }
0x3a: {  	_ = 	snop  }
0x3b: {  	_ = 	snop  }
0x3c: {  	p2 =	seq.s32 s10, $0x1;
	s10 =	sld [smem:$0x3FB8]  }
0x3d: {  	_ =	shalt  }
0x3e: {  	_ =	shalt  }
0x3f: {  	_ =	shalt  }
0x40: {  	_ =	shalt  }
0x41: {  	_ =	shalt  }
0x42: {  	_ =	shalt  }
0x43: {  	_ =	shalt  }
0x44: {  	_ =	shalt  }
0x45: {  	_ =	shalt  }
0x46: {  	_ =	shalt  }
0x47: {  	_ =	shalt  }
0x48: {  	_ =	shalt  }
0x49: {  	_ =	shalt  }
0x4a: {  	_ =	shalt  }
0x4b: {  	_ =	shalt  }
0x4c: {  	_ =	shalt  }
0x4d: {  	_ =	shalt  }
0x4e: {  	_ =	shalt  }
0x4f: {  	_ =	shalt  }
0x50: {  	_ =	shalt  }
0x51: {  	_ =	shalt  }
0x52: {  	_ =	shalt  }
0x53: {  	_ =	shalt  }
0x54: {  	_ =	shalt  }
0x55: {  	_ =	shalt  }
0x56: {  	_ =	shalt  }
0x57: {  	_ =	shalt  }
0x58: {  	_ =	shalt  }
0x59: {  	_ =	shalt  }
0x5a: {  	_ =	shalt  }
0x5b: {  	_ =	shalt  }
0x5c: {  	_ =	shalt  }
0x5d: {  	_ =	shalt  }
0x5e: {  	_ =	shalt  }
0x5f: {  	_ =	shalt  }
0x60: {  	_ =	shalt  }
0x61: {  	_ =	shalt  }
0x62: {  	_ =	shalt  }
0x63: {  	_ =	shalt  }
0x64: {  	_ =	shalt  }
0x65: {  	_ =	shalt  }
0x66: {  	_ =	shalt  }
0x67: {  	_ =	shalt  }
0x68: {  	_ =	shalt  }
0x69: {  	_ =	shalt  }
0x6a: {  	_ =	shalt  }
0x6b: {  	_ =	shalt  }
0x6c: {  	_ =	shalt  }
0x6d: {  	_ =	shalt  }
0x6e: {  	_ =	shalt  }
0x6f: {  	_ =	shalt  }
0x70: {  	_ =	shalt  }
0x71: {  	_ =	shalt  }
0x72: {  	_ =	shalt  }
0x73: {  	_ =	shalt  }
0x74: {  	_ =	shalt  }
0x75: {  	_ =	shalt  }
0x76: {  	_ =	shalt  }
0x77: {  	_ =	shalt  }
0x78: {  	_ =	shalt  }
0x79: {  	_ =	shalt  }
0x7a: {  	_ =	shalt  }
0x7b: {  	_ =	shalt  }
0x7c: {  	_ =	shalt  }
0x7d: {  	_ =	shalt  }
0x7e: {  	_ =	shalt  }
0x7f: {  	_ =	shalt  }
0x80: {  	_ =	shalt  }
0x81: {  	_ =	shalt  }
0x82: {  	_ =	shalt  }
0x83: {  	_ =	shalt  }
0x84: {  	_ =	shalt  }
0x85: {  	_ =	shalt  }
0x86: {  	_ =	shalt  }
0x87: {  	_ =	shalt  }
.Lfunc_end0:
.L_simem_size_0:
called_computation_lowered:
.L_overlay_start_0:
0x88: {  	s2 =	sld [smem:$0x3FD9]  }
0x89: {  	s3 =	sld [smem:$0x3FFE];
	_ =	sdelay $0x1  }
0x8a: {  	s1 =	srdreg.scid  }
0x8b: {  	s0 =	sand.u32 $0x1, s1  }
0x8c: {  	s17 =	sshll.u32 s0, $0xA;
	s2 =	sadd.s32 s3, s2  }
0x8d: {  	s2 =	sadd.s32 s2, s17  }
0x8e: {  	[smem:$0x3FC4] =	sst s2  }
0x8f: {  	_ = 	snop  }
0x90: {  	s2 =	sld [smem:$0x3FC9]  }
0x91: {  	s18 =	sld [smem:$0x3FC8]  }
0x92: {  	s4 =	sld [smem:$0x3FC7]  }
0x93: {  	s5 =	sld [smem:$0x3FC6];
	(tm) =	ssettm $0x1  }
0x94: {  	s6 =	sld [smem:$0x3FFB];
	_ =	sdelay $0x3  }
0x95: {  	_ =	strace s6  }
0x96: {  	s6 =	sld [smem:$0x3FFC];
	_ =	sdelay $0x3  }
0x97: {  	_ =	strace s6  }
0x98: {  	s6 =	sld [smem:$0x3FFD];
	_ =	sdelay $0x3  }
0x99: {  	_ =	strace s6  }
0x9a: {  	_ =	strace $0x8FFFFFFF  }
0x9b: {  	s19 =	sld [smem:$0x3FDB];
	_ =	sdelay $0x1  }
0x9c: {  	s7 =	simm.s32 $_scs_section_size  }
0x9d: {  	s8 =	simm.s32 $_size__tile_overlayer_lowered;
	s9 =	simm.s32 $_tile_overlayer_lowered  }
0x9e: {  	s22 =	simm.s32 $0x1BFF;
	s21 =	sshll.u32 s9, $0x1;
	s6 =	sadd.s32 s7, s19  }
0x9f: {  	s10 =	simm.s32 $0x0;
	s20 =	sshll.u32 s8, $0x1;
	s8 =	sadd.s32 s21, s6  }
0xa0: {  	[timem:s10], [sflag:s22] =	dma.local [hbm:s8], s20  }
0xa1: {  	_ =	swait.ge [sflag:s22], s20  }
0xa2: {  	s7 =	ssub.s32 $0x0, s20;
	[sflag:s22] =	ssyncset.done $0x0  }
0xa3: {  	[sflag:s22] =	ssyncadd.s32 s7;
	_ =	sdelay $0x1  }
0xa4: {  	s23 =	simm.s32 $0x1B8B  }
0xa5: {  	_ =	swait.ge [sflag:s23], $0x1  }
0xa6: {  	[sflag:s23] =	ssyncset.done $0x0  }
0xa7: {  	s25 =	simm.s32 $0x1B8E;
	s24 =	sld [smem:$0x3FFE];
	[sflag:s23] =	ssyncadd.s32 $0xFFFFFFFF  }
0xa8: {  	s26 =	simm.s32 $execute0_lowered;
	[smem:$0x3FD2] =	sst s25  }
0xa9: {  	s8 =	sshll.u32 s26, $0x1;
	_ =	strace $0x80000046;
	[dreg:$0x1] =	wrdreg $0xFFFFFFFF  }
0xaa: {  	s28 =	simm.s32 $_size_execute0_lowered;
	s6 =	sadd.s32 s6, s8;
	[dreg:$0x0] =	wrdreg $0x0  }
0xab: {  	s8 =	sshll.u32 s28, $0x1;
	[dreg:$0x2] =	wrdreg s6  }
0xac: {  	[dreg:$0x3] =	wrdreg s8  }
0xad: {  	[dreg:$0x4] =	wrdreg $0xC0  }
0xae: {  	_ =	task [dreg:s10], $0x5FFFF  }
0xaf: {  	[dreg:$0x1] =	wrdreg $0xFFFFFFFF  }
0xb0: {  	[dreg:$0x0] =	wrdreg $0x60  }
0xb1: {  	[dreg:$0x2] =	wrdreg s2  }
0xb2: {  	[dreg:$0x3] =	wrdreg s18  }
0xb3: {  	[dreg:$0x4] =	wrdreg s4  }
0xb4: {  	[dreg:$0x5] =	wrdreg s5  }
0xb5: {  	[dreg:$0x6] =	wrdreg s24  }
0xb6: {  	[dreg:$0x7] =	wrdreg $0x9  }
0xb7: {  	_ =	task.clear_ibuf [dreg:s10], $0x8FFFF;
	_ =	strace $0x90000046  }
0xb8: {  	s29 =	simm.s32 $0x9;
	_ =	strace $0x80000048  }
0xb9: {  	_ =	swait.ge [sflag:s29], $0x1  }
0xba: {  	[sflag:s29] =	ssyncadd.s32 $0xFFFFFFFF  }
0xbb: {  	_ =	strace $0x90000048  }
0xbc: {  	_ =	sfence  }
0xbd: {  	s30 =	sld [smem:$0x0];
	_ =	sdelay $0x2  }
0xbe: {  	s31 =	sshll.u32 s1, $0xD;
	s1 =	sshrl.u32 s1, $0x2  }
0xbf: {  	s3 =	sand.u32 $0x4000, s31;
	s1 =	sadd.s32 s1, s30  }
0xc0: {  	s0 =	sor.u32 s3, s0;
	s1 =	sshll.u32 s1, $0x11  }
0xc1: {  	s0 =	sor.u32 s1, s0  }
0xc2: {  	s0 =	sadd.s32 $0x8F2B, s0  }
0xc3: {  	[sflag:s0] =	ssyncadd.remote.s32 $0x1  }
0xc4: {  	_ =	sfence.sel $0xFFFF  }
0xc5: {  	[dreg:$0x0] =	wrdreg $0xFFFFFFFF;
	(pc) =	sbr.abs _section_cstart, $3  }
0xc6: {  	[dreg:$0x1] =	wrdreg $0xFFFFFFFF  }
0xc7: {  	_ =	task.clear_ibuf [dreg:s10], $0x2FFFF;
	_ =	strace $0x9FFFFFFF  }
0xc8: {  	(tm) =	ssettm $0x7FFFFFFF  }
0xc9: {  	_ =	shalt  }
tec
execute0_lowered:
.L_overlay_start_1:
0x0: {  	(tag) =	ssettag $0x1  }
0x1: {  	s0 =	rddreg [dreg:$0x0]  }
0x2: {  	s1 =	rddreg [dreg:$0x1]  }
0x3: {  	s2 =	rddreg [dreg:$0x2];
	s3 =	srdreg.scid  }
0x4: {  	s4 =	stileid.u32;
	s5 =	rddreg [dreg:$0x4];
	s10 =	simm.s32 $0x5  }
0x5: {  	s12 =	simm.s32 $0x5000;
	s13 =	simm.s32 $0x80;
	s18 =	simm.s32 $0x2  }
0x6: {  	s19 =	simm.s32 $0x9C80;
	s20 =	simm.s32 $0x11C80;
	s21 =	simm.s32 $0x1  }
0x7: {  	s22 =	simm.s32 $0x3;
	s23 =	simm.s32 $0x15C80;
	s24 =	simm.s32 $0x16480  }
0x8: {  	s25 =	simm.s32 $0x4;
	s3 =	sand.u32 $0x1, s3;
	s4 =	sshll.u32 s4, $0x1  }
0x9: {  	s6 =	sor.u32 s3, s4;
	s4 =	simm.s32 $0x0;
	s3 =	ssub.s32 $0x2, s3  }
0xa: {  	s6 =	smul.u32 $0x500, s6;
	[smem:$0x7FF] =	sst s4;
	s7 =	sshrl.u32 s3, $0x1  }
0xb: {  	v0 =	vlaneseq.u32;
	s29 =	simm.s32 $0x0;
	_ =	strace $0x80000047;
	s3 =	ssub.s32 s3, s7  }
0xc: {  	v0 =	vmul.u32 $0x10, v0;
	s8 =	sadd.s32 s6, s5;
	s5 =	sadd.s32 s1, s6;
	s6 =	sadd.s32 s2, s6  }
0xd: {  	vm0 =	vcmask $0x3F3C;
	s9 =	smax.u32 s3, $0x1;
	s7 =	sadd.s32 $0xC00, s8;
	s8 =	sadd.s32 $0xAC00, s8  }
.LBB2_1:
0xe: {  	[tilespmem:s4], [sflag:$0x5] =	stream.linear.gather [hbm4b:s5+s4], $0x2800, $0x38;
	[tilespmem:$0x1BC80] =	vst v63  }
0xf: {  	_ =	swait.ge [sflag:s10], $0x2800  }
0x10: {  	[sflag:s10] =	ssyncset.done $0x0  }
0x11: {  	s2 =	simm.s32 $0x2800;
	[sflag:s10] =	ssyncadd.s32 $0xFFFFD800  }
0x12: {  	[tilespmem:s2], [sflag:$0x5] =	stream.linear.gather [hbm4b:s6+s4], $0x2800, $0x38;
	[tilespmem:$0x1BC80] =	vst v63  }
0x13: {  	_ =	swait.ge [sflag:s10], $0x2800  }
0x14: {  	[sflag:s10] =	ssyncset.done $0x0  }
0x15: {  	[sflag:s10] =	ssyncadd.s32 $0xFFFFD800  }
0x16: {  	s1 =	rddreg [dreg:$0x3]  }
0x17: {  	[tilespmem:s12], [sflag:$0x5] =	stream.linear.gather [hbm4b:s1+s4], $0x80, $0x38;
	[tilespmem:$0x1BC80] =	vst v63  }
0x18: {  	_ =	swait.ge [sflag:s10], $0x80  }
0x19: {  	[sflag:s10] =	ssyncset.done $0x0  }
0x1a: {  	s16 =	simm.s32 $0x5C80;
	[sflag:s10] =	ssyncadd.s32 $0xFFFFFF80  }
0x1b: {  	[tilespmem:s16], [sflag:$0x1] =	stream.indirect.gather [hbm4b:s0+s13], $0x80, s4, s13, $0xb8;
	[tilespmem:$0x1BC80] =	vst v63  }
0x1c: {  	s17 =	simm.s32 $0xDC80  }
0x1d: {  	[tilespmem:s17], [sflag:$0x3] =	stream.indirect.gather [hbm4b:s0+s13], $0x80, s2, s13, $0xb8;
	[tilespmem:$0x1BC80] =	vst v63  }
0x1e: {  	s26 =	simm.s32 $0x14;
	s28 =	simm.s32 $0x5080  }
0x1f: {  	[tilespmem:s28], [sflag:$0x2] =	stream.indirect.gather [hbm4b:s0+s26], $0x80, s12, s26, $0xb8;
	[tilespmem:$0x1BC80] =	vst v63  }
0x20: {  	_ =	swait.ge [sflag:s18], $0xA00  }
0x21: {  	[sflag:s18] =	ssyncset.done $0x0  }
0x22: {  	[sflag:s18] =	ssyncadd.s32 $0xFFFFF600  }
0x23: {  	v1 =	vld [tilespmem:$0x5500];
	_ =	sdelay $0x4  }
0x24: {  	[tilespmem:$0x1FE50] =	vst v1;
	v1 =	vld [tilespmem:$0x5580];
	_ =	sdelay $0x4  }
0x25: {  	[tilespmem:$0x1FE60] =	vst v1;
	v1 =	vld [tilespmem:$0x5600];
	_ =	sdelay $0x4  }
0x26: {  	[tilespmem:$0x1FE70] =	vst v1;
	v1 =	vld [tilespmem:$0x5680];
	_ =	sdelay $0x2  }
0x27: {  	v20 =	vld [tilespmem:$0x5080]  }
0x28: {  	v19 =	vld [tilespmem:$0x5100]  }
0x29: {  	[tilespmem:$0x1FE80] =	vst v1;
	v1 =	vld [tilespmem:$0x5700]  }
0x2a: {  	v22 =	vld [tilespmem:$0x5180]  }
0x2b: {  	v24 =	vld [tilespmem:$0x5200]  }
0x2c: {  	v26 =	vld [tilespmem:$0x5280]  }
0x2d: {  	v38 =	vld [tilespmem:$0x5300]  }
0x2e: {  	[tilespmem:$0x1FE90] =	vst v1;
	v1 =	vld [tilespmem:$0x5780]  }
0x2f: {  	v39 =	vld [tilespmem:$0x5380]  }
0x30: {  	v40 =	vld [tilespmem:$0x5400]  }
0x31: {  	v41 =	vld [tilespmem:$0x5480]  }
0x32: {  	v10 =	vld [tilespmem:$0x5090]  }
0x33: {  	[tilespmem:$0x1FEB0] =	vst v1;
	v1 =	vld [tilespmem:$0x5800]  }
0x34: {  	v11 =	vld [tilespmem:$0x5110]  }
0x35: {  	v15 =	vld [tilespmem:$0x5190]  }
0x36: {  	v43 =	vld [tilespmem:$0x5210]  }
0x37: {  	v44 =	vld [tilespmem:$0x5290]  }
0x38: {  	[tilespmem:$0x1FED0] =	vst v1;
	v1 =	vld [tilespmem:$0x5880]  }
0x39: {  	v45 =	vld [tilespmem:$0x5310]  }
0x3a: {  	v46 =	vld [tilespmem:$0x5390]  }
0x3b: {  	v47 =	vld [tilespmem:$0x5410]  }
0x3c: {  	v48 =	vld [tilespmem:$0x5490]  }
0x3d: {  	[tilespmem:$0x1FEF0] =	vst v1;
	v1 =	vld [tilespmem:$0x5900]  }
0x3e: {  	v49 =	vld [tilespmem:$0x5510]  }
0x3f: {  	v50 =	vld [tilespmem:$0x5590]  }
0x40: {  	v51 =	vld [tilespmem:$0x5610]  }
0x41: {  	v52 =	vld [tilespmem:$0x5690]  }
0x42: {  	[tilespmem:$0x1FF10] =	vst v1;
	v1 =	vld [tilespmem:$0x5980]  }
0x43: {  	v13 =	vld [tilespmem:$0x50A0]  }
0x44: {  	v14 =	vld [tilespmem:$0x5120]  }
0x45: {  	v53 =	vld [tilespmem:$0x51A0]  }
0x46: {  	v54 =	vld [tilespmem:$0x5220]  }
0x47: {  	[tilespmem:$0x1FF40] =	vst v1;
	v1 =	vld [tilespmem:$0x5A00]  }
0x48: {  	v55 =	vld [tilespmem:$0x52A0]  }
0x49: {  	v56 =	vld [tilespmem:$0x5320]  }
0x4a: {  	v57 =	vld [tilespmem:$0x53A0]  }
0x4b: {  	v58 =	vld [tilespmem:$0x5420]  }
0x4c: {  	[tilespmem:$0x1FF70] =	vst v1;
	v1 =	vld [tilespmem:$0x5710]  }
0x4d: {  	v59 =	vld [tilespmem:$0x54A0]  }
0x4e: {  	v60 =	vld [tilespmem:$0x5520]  }
0x4f: {  	v61 =	vld [tilespmem:$0x55A0]  }
0x50: {  	v62 =	vld [tilespmem:$0x5620]  }
0x51: {  	[tilespmem:$0x1FEA0] =	vst v1;
	v1 =	vld [tilespmem:$0x5790]  }
0x52: {  	v63 =	vld [tilespmem:$0x56A0]  }
0x53: {  	v28 =	vld [tilespmem:$0x5720]  }
0x54: {  	v30 =	vld [tilespmem:$0x57A0]  }
0x55: {  	v32 =	vld [tilespmem:$0x5820]  }
0x56: {  	[tilespmem:$0x1FEC0] =	vst v1;
	v1 =	vld [tilespmem:$0x5810]  }
0x57: {  	v36 =	vld [tilespmem:$0x58A0]  }
0x58: {  	v2 =	vld [tilespmem:$0x50B0]  }
0x59: {  	v3 =	vld [tilespmem:$0x51B0]  }
0x5a: {  	v4 =	vld [tilespmem:$0x5230]  }
0x5b: {  	[tilespmem:$0x1FEE0] =	vst v1;
	v1 =	vld [tilespmem:$0x5890]  }
0x5c: {  	v5 =	vld [tilespmem:$0x52B0]  }
0x5d: {  	v6 =	vld [tilespmem:$0x5330]  }
0x5e: {  	v7 =	vld [tilespmem:$0x53B0]  }
0x5f: {  	v8 =	vld [tilespmem:$0x5430]  }
0x60: {  	[tilespmem:$0x1FF00] =	vst v1;
	v1 =	vld [tilespmem:$0x5910]  }
0x61: {  	v42 =	vld [tilespmem:$0x5240]  }
0x62: {  	v9 =	vld [tilespmem:$0x54B0]  }
0x63: {  	v12 =	vld [tilespmem:$0x5530]  }
0x64: {  	v16 =	vld [tilespmem:$0x55B0]  }
0x65: {  	[tilespmem:$0x1FF20] =	vst v1;
	v1 =	vld [tilespmem:$0x5990]  }
0x66: {  	[tilespmem:$0x1FFA0] =	vst v42;
	v42 =	vld [tilespmem:$0x52C0]  }
0x67: {  	v17 =	vld [tilespmem:$0x5630]  }
0x68: {  	v18 =	vld [tilespmem:$0x56B0]  }
0x69: {  	v21 =	vld [tilespmem:$0x5730]  }
0x6a: {  	[tilespmem:$0x1FF50] =	vst v1;
	v1 =	vld [tilespmem:$0x5A10]  }
0x6b: {  	[tilespmem:$0x1FFB0] =	vst v42;
	v42 =	vld [tilespmem:$0x5340]  }
0x6c: {  	v23 =	vld [tilespmem:$0x57B0]  }
0x6d: {  	v25 =	vld [tilespmem:$0x5830]  }
0x6e: {  	v27 =	vld [tilespmem:$0x58B0]  }
0x6f: {  	[tilespmem:$0x1FF80] =	vst v1;
	v1 =	vld [tilespmem:$0x5920]  }
0x70: {  	[tilespmem:$0x1FFC0] =	vst v42;
	v42 =	vld [tilespmem:$0x53C0]  }
0x71: {  	v29 =	vld [tilespmem:$0x5930]  }
0x72: {  	v31 =	vld [tilespmem:$0x59B0]  }
0x73: {  	v33 =	vld [tilespmem:$0x5A30]  }
0x74: {  	[tilespmem:$0x1FF30] =	vst v1;
	v1 =	vld [tilespmem:$0x59A0]  }
0x75: {  	[tilespmem:$0x1FFD0] =	vst v42;
	v42 =	vld [tilespmem:$0x5440]  }
0x76: {  	v35 =	vld [tilespmem:$0x50C0]  }
0x77: {  	v34 =	vld [tilespmem:$0x5140]  }
0x78: {  	v37 =	vld [tilespmem:$0x51C0]  }
0x79: {  	[tilespmem:$0x1FF60] =	vst v1;
	v1 =	vld [tilespmem:$0x5A20]  }
0x7a: {  	[tilespmem:$0x1FFE0] =	vst v42;
	v42 =	vld [tilespmem:$0x54C0]  }
0x7b: {  	v20 =	vadd.f32 v19, v20;
	v19 =	vld [tilespmem:$0x5540]  }
0x7c: {  	v10 =	vadd.f32 v11, v10;
	v11 =	vadd.f32 v14, v13;
	v14 =	vld [tilespmem:$0x55C0]  }
0x7d: {  	v13 =	vld [tilespmem:$0x5640]  }
0x7e: {  	[tilespmem:$0x1FF90] =	vst v1;
	v1 =	vld [tilespmem:$0x5130]  }
0x7f: {  	[tilespmem:$0x1FFF0] =	vst v42;
	v42 =	vadd.f32 v53, v11;
	v53 =	vld [tilespmem:$0x56C0]  }
0x80: {  	v11 =	vld [tilespmem:$0x5740]  }
0x81: {  	v10 =	vadd.f32 v15, v10;
	v15 =	vadd.f32 v54, v42;
	v42 =	vld [tilespmem:$0x5750]  }
0x82: {  	v54 =	vld [tilespmem:$0x1FED0]  }
0x83: {  	v1 =	vadd.f32 v1, v2;
	v2 =	vadd.f32 v22, v20;
	v22 =	vld [tilespmem:$0x5840]  }
0x84: {  	v20 =	vld [tilespmem:$0x5940]  }
0x85: {  	v1 =	vadd.f32 v3, v1;
	v3 =	vadd.f32 v43, v10;
	v10 =	vld [tilespmem:$0x57C0]  }
0x86: {  	v2 =	vadd.f32 v24, v2;
	v24 =	vld [tilespmem:$0x5250]  }
0x87: {  	v43 =	vld [tilespmem:$0x1FFD0]  }
0x88: {  	v1 =	vadd.f32 v4, v1;
	v4 =	vadd.f32 v55, v15;
	v15 =	vld [tilespmem:$0x58C0]  }
0x89: {  	v2 =	vadd.f32 v26, v2;
	v26 =	vld [tilespmem:$0x5350]  }
0x8a: {  	v55 =	vld [tilespmem:$0x1FEE0]  }
0x8b: {  	v3 =	vadd.f32 v44, v3;
	v44 =	vld [tilespmem:$0x54F0]  }
0x8c: {  	v1 =	vadd.f32 v5, v1;
	v5 =	vld [tilespmem:$0x59C0]  }
0x8d: {  	v2 =	vadd.f32 v38, v2;
	v38 =	vld [tilespmem:$0x5A40]  }
0x8e: {  	v3 =	vadd.f32 v45, v3;
	v45 =	vld [tilespmem:$0x1FE50]  }
0x8f: {  	v4 =	vadd.f32 v56, v4;
	v56 =	vld [tilespmem:$0x1FEF0]  }
0x90: {  	v1 =	vadd.f32 v6, v1;
	v6 =	vld [tilespmem:$0x50D0]  }
0x91: {  	v3 =	vadd.f32 v46, v3;
	v46 =	vld [tilespmem:$0x1FE60]  }
0x92: {  	v2 =	vadd.f32 v39, v2;
	v39 =	vld [tilespmem:$0x5450]  }
0x93: {  	v4 =	vadd.f32 v57, v4;
	v57 =	vld [tilespmem:$0x1FF00]  }
0x94: {  	v1 =	vadd.f32 v7, v1;
	v7 =	vld [tilespmem:$0x5150]  }
0x95: {  	v3 =	vadd.f32 v47, v3;
	v47 =	vld [tilespmem:$0x1FE70]  }
0x96: {  	v2 =	vadd.f32 v40, v2;
	v40 =	vld [tilespmem:$0x5550]  }
0x97: {  	v4 =	vadd.f32 v58, v4;
	v58 =	vld [tilespmem:$0x50E0]  }
0x98: {  	v1 =	vadd.f32 v8, v1;
	v8 =	vld [tilespmem:$0x51D0]  }
0x99: {  	v3 =	vadd.f32 v48, v3;
	v48 =	vld [tilespmem:$0x1FE80]  }
0x9a: {  	v2 =	vadd.f32 v41, v2;
	v41 =	vld [tilespmem:$0x5650];
	v1 =	vadd.f32 v9, v1  }
0x9b: {  	v4 =	vadd.f32 v59, v4;
	v59 =	vld [tilespmem:$0x1FF10]  }
0x9c: {  	v9 =	vld [tilespmem:$0x52D0];
	v1 =	vadd.f32 v12, v1  }
0x9d: {  	v3 =	vadd.f32 v49, v3;
	v49 =	vld [tilespmem:$0x1FE90]  }
0x9e: {  	v4 =	vadd.f32 v60, v4;
	v60 =	vld [tilespmem:$0x1FF20];
	v1 =	vadd.f32 v16, v1  }
0x9f: {  	v2 =	vadd.f32 v45, v2;
	v45 =	vld [tilespmem:$0x1FFE0]  }
0xa0: {  	v6 =	vadd.f32 v7, v6;
	v7 =	vld [tilespmem:$0x5270];
	v1 =	vadd.f32 v17, v1  }
0xa1: {  	v12 =	vld [tilespmem:$0x53D0];
	v2 =	vadd.f32 v46, v2  }
0xa2: {  	v3 =	vadd.f32 v50, v3;
	v50 =	vld [tilespmem:$0x1FEA0];
	v1 =	vadd.f32 v18, v1  }
0xa3: {  	v4 =	vadd.f32 v61, v4;
	v61 =	vld [tilespmem:$0x5160];
	v2 =	vadd.f32 v47, v2  }
0xa4: {  	v3 =	vadd.f32 v51, v3;
	v51 =	vld [tilespmem:$0x1FEB0];
	v1 =	vadd.f32 v21, v1  }
0xa5: {  	v46 =	vld [tilespmem:$0x5570];
	v2 =	vadd.f32 v48, v2  }
0xa6: {  	v6 =	vadd.f32 v8, v6;
	v8 =	vld [tilespmem:$0x52F0];
	v1 =	vadd.f32 v23, v1  }
0xa7: {  	v16 =	vld [tilespmem:$0x54D0];
	v2 =	vadd.f32 v49, v2  }
0xa8: {  	v4 =	vadd.f32 v62, v4;
	v62 =	vld [tilespmem:$0x1FF30];
	v1 =	vadd.f32 v25, v1  }
0xa9: {  	v3 =	vadd.f32 v52, v3;
	v52 =	vld [tilespmem:$0x1FEC0];
	v2 =	vadd.f32 v51, v2  }
0xaa: {  	v47 =	vld [tilespmem:$0x55E0];
	v1 =	vadd.f32 v27, v1  }
0xab: {  	v6 =	vadd.f32 v24, v6;
	v17 =	vld [tilespmem:$0x55D0];
	v2 =	vadd.f32 v54, v2  }
0xac: {  	v48 =	vld [tilespmem:$0x1FF40];
	v3 =	vadd.f32 v50, v3;
	v1 =	vadd.f32 v29, v1  }
0xad: {  	v4 =	vadd.f32 v63, v4;
	v63 =	vld [tilespmem:$0x50F0];
	v2 =	vadd.f32 v56, v2  }
0xae: {  	v3 =	vadd.f32 v52, v3;
	v31 =	vadd.f32 v31, v1;
	v1 =	vld [tilespmem:$0x1FF70]  }
0xaf: {  	v6 =	vadd.f32 v9, v6;
	v9 =	vld [tilespmem:$0x53F0];
	v2 =	vadd.f32 v59, v2  }
0xb0: {  	v18 =	vld [tilespmem:$0x56D0];
	v3 =	vadd.f32 v55, v3  }
0xb1: {  	v4 =	vadd.f32 v28, v4;
	v49 =	vld [tilespmem:$0x1FF50];
	v2 =	vadd.f32 v48, v2  }
0xb2: {  	v28 =	vld [tilespmem:$0x5850];
	v3 =	vadd.f32 v57, v3  }
0xb3: {  	v4 =	vadd.f32 v30, v4;
	v1 =	vadd.f32 v1, v2;
	v2 =	vld [tilespmem:$0x1FF80]  }
0xb4: {  	v50 =	vld [tilespmem:$0x5170];
	v3 =	vadd.f32 v60, v3  }
0xb5: {  	v21 =	vld [tilespmem:$0x57D0];
	v4 =	vadd.f32 v32, v4  }
0xb6: {  	v51 =	vld [tilespmem:$0x1FF60];
	v3 =	vadd.f32 v49, v3  }
0xb7: {  	v52 =	vld [tilespmem:$0x51E0];
	v4 =	vadd.f32 v36, v4  }
0xb8: {  	v2 =	vadd.f32 v2, v3;
	v3 =	vld [tilespmem:$0x1FF90]  }
0xb9: {  	v54 =	vld [tilespmem:$0x51F0];
	v4 =	vadd.f32 v62, v4  }
0xba: {  	v55 =	vld [tilespmem:$0x5260]  }
0xbb: {  	v59 =	vld [tilespmem:$0x1FFA0];
	v4 =	vadd.f32 v51, v4  }
0xbc: {  	v56 =	vadd.f32 v34, v35;
	v57 =	vld [tilespmem:$0x52E0];
	v27 =	vadd.f32 v61, v58  }
0xbd: {  	v62 =	vld [tilespmem:$0x1FFB0];
	v29 =	vadd.f32 v50, v63;
	v3 =	vadd.f32 v3, v4  }
0xbe: {  	v58 =	vld [tilespmem:$0x5360];
	v4 =	vadd.f32 v33, v31;
	v33 =	vadd.f32 v37, v56  }
0xbf: {  	v27 =	vadd.f32 v52, v27;
	v63 =	vld [tilespmem:$0x1FFC0];
	v29 =	vadd.f32 v54, v29  }
0xc0: {  	v60 =	vld [tilespmem:$0x5370];
	v33 =	vadd.f32 v59, v33  }
0xc1: {  	v30 =	vld [tilespmem:$0x5950];
	v27 =	vadd.f32 v55, v27;
	v7 =	vadd.f32 v7, v29  }
0xc2: {  	v61 =	vld [tilespmem:$0x53E0];
	v31 =	vadd.f32 v62, v33  }
0xc3: {  	v36 =	vld [tilespmem:$0x5470];
	v27 =	vadd.f32 v57, v27;
	v7 =	vadd.f32 v8, v7  }
0xc4: {  	v8 =	vld [tilespmem:$0x5460];
	v31 =	vadd.f32 v63, v31  }
0xc5: {  	v48 =	vld [tilespmem:$0x1FFF0];
	v27 =	vadd.f32 v58, v27;
	v7 =	vadd.f32 v60, v7  }
0xc6: {  	v6 =	vadd.f32 v26, v6;
	v37 =	vld [tilespmem:$0x54E0];
	v31 =	vadd.f32 v43, v31  }
0xc7: {  	v23 =	vld [tilespmem:$0x58D0];
	v27 =	vadd.f32 v61, v27;
	v7 =	vadd.f32 v9, v7  }
0xc8: {  	v6 =	vadd.f32 v12, v6;
	v9 =	vld [tilespmem:$0x5560];
	v29 =	vadd.f32 v45, v31  }
0xc9: {  	v25 =	vld [tilespmem:$0x59D0];
	v8 =	vadd.f32 v8, v27;
	v7 =	vadd.f32 v36, v7  }
0xca: {  	v6 =	vadd.f32 v39, v6;
	v49 =	vld [tilespmem:$0x55F0];
	v27 =	vadd.f32 v48, v29  }
0xcb: {  	v50 =	vld [tilespmem:$0x5660];
	v7 =	vadd.f32 v44, v7;
	v8 =	vadd.f32 v37, v8  }
0xcc: {  	v6 =	vadd.f32 v16, v6;
	v51 =	vld [tilespmem:$0x5670];
	v19 =	vadd.f32 v19, v27  }
0xcd: {  	v52 =	vld [tilespmem:$0x56F0];
	v7 =	vadd.f32 v46, v7;
	v8 =	vadd.f32 v9, v8  }
0xce: {  	v6 =	vadd.f32 v40, v6;
	v9 =	vld [tilespmem:$0x56E0];
	v14 =	vadd.f32 v14, v19  }
0xcf: {  	v54 =	vld [tilespmem:$0x5760];
	v7 =	vadd.f32 v49, v7;
	v8 =	vadd.f32 v47, v8  }
0xd0: {  	v6 =	vadd.f32 v17, v6;
	v55 =	vld [tilespmem:$0x5770];
	v13 =	vadd.f32 v13, v14  }
0xd1: {  	v57 =	vld [tilespmem:$0x57F0];
	v7 =	vadd.f32 v51, v7;
	v8 =	vadd.f32 v50, v8  }
0xd2: {  	v6 =	vadd.f32 v41, v6;
	v56 =	vld [tilespmem:$0x57E0];
	v13 =	vadd.f32 v53, v13  }
0xd3: {  	v58 =	vld [tilespmem:$0x5870];
	v7 =	vadd.f32 v52, v7;
	v8 =	vadd.f32 v9, v8  }
0xd4: {  	v6 =	vadd.f32 v18, v6;
	v9 =	vld [tilespmem:$0x5860];
	v11 =	vadd.f32 v11, v13  }
0xd5: {  	v59 =	vld [tilespmem:$0x58E0];
	v7 =	vadd.f32 v55, v7;
	v8 =	vadd.f32 v54, v8  }
0xd6: {  	v6 =	vadd.f32 v42, v6;
	v10 =	vadd.f32 v10, v11;
	v11 =	vld [tilespmem:$0x58F0]  }
0xd7: {  	v60 =	vld [tilespmem:$0x5960];
	v7 =	vadd.f32 v57, v7;
	v8 =	vadd.f32 v56, v8  }
0xd8: {  	v61 =	vld [tilespmem:$0x5970];
	v6 =	vadd.f32 v21, v6  }
0xd9: {  	v62 =	vld [tilespmem:$0x59F0];
	v7 =	vadd.f32 v58, v7;
	v8 =	vadd.f32 v9, v8  }
0xda: {  	v6 =	vadd.f32 v28, v6;
	v9 =	vld [tilespmem:$0x59E0];
	v10 =	vadd.f32 v22, v10  }
0xdb: {  	v63 =	vld [tilespmem:$0x5A70];
	v8 =	vadd.f32 v59, v8;
	v7 =	vadd.f32 v11, v7  }
0xdc: {  	v6 =	vadd.f32 v23, v6;
	v10 =	vadd.f32 v15, v10;
	v11 =	vld [tilespmem:$0x5A60]  }
0xdd: {  	v32 =	vld [tilespmem:$0x5A50];
	v8 =	vadd.f32 v60, v8;
	v7 =	vadd.f32 v61, v7  }
0xde: {  	v6 =	vadd.f32 v30, v6;
	v10 =	vadd.f32 v20, v10  }
0xdf: {  	v8 =	vadd.f32 v9, v8;
	v9 =	vadd.f32 v62, v7  }
0xe0: {  	v6 =	vadd.f32 v25, v6;
	v5 =	vadd.f32 v5, v10  }
0xe1: {  	s30 =	simm.s32 $0x19490;
	s31 =	simm.s32 $0x16C90;
	v7 =	vadd.f32 v11, v8;
	v8 =	vadd.f32 v63, v9  }
0xe2: {  	s3 =	simm.s32 $0x0;
	s1 =	simm.s32 $0x19510;
	s2 =	simm.s32 $0x16D10;
	v6 =	vadd.f32 v32, v6;
	v5 =	vadd.f32 v38, v5  }
.LBB2_2:
0xe3: {  	s14 =	sshll.u32 s3, $0x8  }
0xe4: {  	s11 =	sor.u32 $0x80, s14  }
0xe5: {  	[tilespmem:s19], [sflag:$0x2] =	stream.indirect.gather [hbm4b:s0+s13], $0x80, s11, s13, $0xb8;
	[tilespmem:$0x1BC80] =	vst v63  }
0xe6: {  	s15 =	sadd.s32 $0x2880, s14  }
0xe7: {  	[tilespmem:s20], [sflag:$0x4] =	stream.indirect.gather [hbm4b:s0+s13], $0x80, s15, s13, $0xb8;
	[tilespmem:$0x1BC80] =	vst v63  }
0xe8: {  	_ =	swait.ge [sflag:s21], $0x4000  }
0xe9: {  	[sflag:s21] =	ssyncset.done $0x0  }
0xea: {  	[sflag:s21] =	ssyncadd.s32 $0xFFFFC000  }
0xeb: {  	_ =	swait.ge [sflag:s22], $0x4000  }
0xec: {  	[sflag:s22] =	ssyncset.done $0x0  }
0xed: {  	s16 =	simm.s32 $0x5D80;
	[sflag:s22] =	ssyncadd.s32 $0xFFFFC000  }
0xee: {  	v9 =	vld [tilespmem:s16+$0x80]  }
0xef: {  	s15 =	simm.s32 $0xDD80;
	v10 =	vld [tilespmem:s16+$0x90]  }
0xf0: {  	v11 =	vld [tilespmem:s15+$0x80]  }
0xf1: {  	v12 =	vld [tilespmem:s15+$0x90]  }
0xf2: {  	v13 =	vld [tilespmem:s16+$0xA0]  }
0xf3: {  	v14 =	vld [tilespmem:s15+$0xA0]  }
0xf4: {  	v15 =	vld [tilespmem:s16+$0xB0]  }
0xf5: {  	v16 =	vld [tilespmem:s15+$0xB0]  }
0xf6: {  	v17 =	vld [tilespmem:s16+$0xC0]  }
0xf7: {  	v18 =	vld [tilespmem:s15+$0xC0]  }
0xf8: {  	v19 =	vld [tilespmem:s16+$0xD0]  }
0xf9: {  	v20 =	vld [tilespmem:s15+$0xD0]  }
0xfa: {  	v21 =	vld [tilespmem:s16+$0xE0]  }
0xfb: {  	v22 =	vld [tilespmem:s15+$0xE0]  }
0xfc: {  	v23 =	vld [tilespmem:s16+$0xF0]  }
0xfd: {  	v24 =	vld [tilespmem:s15+$0xF0]  }
0xfe: {  	v25 =	vld [tilespmem:s16+$0xFFFFFF10]  }
0xff: {  	v26 =	vld [tilespmem:s15+$0xFFFFFF00]  }
0x100: {  	v27 =	vld [tilespmem:s15+$0xFFFFFF10]  }
0x101: {  	v28 =	vld [tilespmem:s16+$0xFFFFFF80]  }
0x102: {  	v29 =	vld [tilespmem:s16+$0xFFFFFF90]  }
0x103: {  	v30 =	vld [tilespmem:s15+$0xFFFFFF80]  }
0x104: {  	v31 =	vld [tilespmem:s15+$0xFFFFFF90]  }
0x105: {  	v32 =	vld [tilespmem:s16+$0x0]  }
0x106: {  	v33 =	vld [tilespmem:s16+$0x10]  }
0x107: {  	v34 =	vld [tilespmem:s15+$0x0]  }
0x108: {  	v46 =	vld [tilespmem:s16+$0xFFFFFFB0];
	v11 =	vmul.f32 v11, v9;
	v12 =	vmul.f32 v12, v10  }
0x109: {  	v35 =	vld [tilespmem:s15+$0xFFFFFFB0];
	v9 =	vmul.f32 v9, v1;
	v10 =	vmul.f32 v10, v2  }
0x10a: {  	v48 =	vld [tilespmem:s16+$0x30];
	v24 =	vmul.f32 v24, v23;
	v11 =	vadd.f32 v12, v11  }
0x10b: {  	v12 =	vmul.f32 v14, v13;
	v9 =	vadd.f32 v10, v9;
	v10 =	vmul.f32 v13, v3;
	v13 =	vld [tilespmem:s16+$0xFFFFFF00]  }
0x10c: {  	v47 =	vmul.f32 v29, v2;
	v49 =	vmul.f32 v32, v1;
	v14 =	vld [tilespmem:s15+$0x10]  }
0x10d: {  	v51 =	vmul.f32 v33, v2;
	v11 =	vadd.f32 v12, v11;
	v12 =	vmul.f32 v16, v15;
	v16 =	vld [tilespmem:s16+$0xFFFFFF20]  }
0x10e: {  	v52 =	vmul.f32 v34, v32;
	v9 =	vadd.f32 v10, v9;
	v10 =	vmul.f32 v15, v4;
	v15 =	vld [tilespmem:s15+$0xFFFFFF20]  }
0x10f: {  	v50 =	vld [tilespmem:s15+$0x30];
	v57 =	vmul.f32 v35, v46;
	v11 =	vadd.f32 v12, v11;
	v12 =	vmul.f32 v18, v17  }
0x110: {  	v18 =	vld [tilespmem:s16+$0xFFFFFFA0];
	v9 =	vadd.f32 v10, v9;
	v10 =	vmul.f32 v17, v5;
	v26 =	vmul.f32 v26, v13  }
0x111: {  	v36 =	vld [tilespmem:s16+$0xFFFFFF40];
	v13 =	vmul.f32 v13, v1;
	v11 =	vadd.f32 v12, v11;
	v12 =	vmul.f32 v20, v19  }
0x112: {  	v53 =	vld [tilespmem:s15+$0xFFFFFF40];
	v14 =	vmul.f32 v14, v33;
	v9 =	vadd.f32 v10, v9;
	v10 =	vmul.f32 v19, v6  }
0x113: {  	v17 =	vld [tilespmem:s15+$0xFFFFFFA0];
	v15 =	vmul.f32 v15, v16;
	v11 =	vadd.f32 v12, v11;
	v12 =	vmul.f32 v22, v21  }
0x114: {  	v20 =	vld [tilespmem:s16+$0x20];
	v14 =	vadd.f32 v14, v52;
	v9 =	vadd.f32 v10, v9;
	v10 =	vmul.f32 v21, v7  }
0x115: {  	v22 =	vld [tilespmem:s16+$0xFFFFFF30];
	v55 =	vmul.f32 v18, v3;
	v11 =	vadd.f32 v12, v11;
	v12 =	vmul.f32 v25, v2  }
0x116: {  	v21 =	vld [tilespmem:s15+$0xFFFFFF30];
	v9 =	vadd.f32 v10, v9;
	v10 =	vmul.f32 v23, v8;
	v23 =	vmul.f32 v28, v1  }
0x117: {  	v19 =	vld [tilespmem:s15+$0x20];
	v25 =	vmul.f32 v27, v25;
	v28 =	vmul.f32 v30, v28;
	v11 =	vadd.f32 v24, v11  }
0x118: {  	v54 =	vld [tilespmem:s16+$0xFFFFFFC0];
	v9 =	vadd.f32 v10, v9;
	v10 =	vmul.f32 v31, v29;
	v23 =	vadd.f32 v47, v23  }
0x119: {  	v56 =	vld [tilespmem:s15+$0x40];
	v24 =	vadd.f32 v51, v49;
	v12 =	vadd.f32 v12, v13;
	v13 =	vmul.f32 v16, v3  }
0x11a: {  	v17 =	vmul.f32 v17, v18;
	v25 =	vadd.f32 v25, v26;
	v16 =	vld [tilespmem:s15+$0xFFFFFFC0];
	v10 =	vadd.f32 v10, v28  }
0x11b: {  	v58 =	vld [tilespmem:s16+$0xFFFFFFD0];
	v21 =	vmul.f32 v21, v22;
	v12 =	vadd.f32 v13, v12;
	v13 =	vmul.f32 v20, v3  }
0x11c: {  	v59 =	vld [tilespmem:s16+$0x50];
	v15 =	vadd.f32 v15, v25;
	v10 =	vadd.f32 v17, v10;
	v17 =	vmul.f32 v19, v20  }
0x11d: {  	v18 =	vld [tilespmem:s16+$0x40];
	v23 =	vadd.f32 v55, v23;
	v13 =	vadd.f32 v13, v24;
	v20 =	vmul.f32 v22, v4  }
0x11e: {  	v19 =	vld [tilespmem:s16+$0xFFFFFF50];
	v15 =	vadd.f32 v21, v15;
	v14 =	vadd.f32 v17, v14;
	v17 =	vmul.f32 v46, v4  }
0x11f: {  	v21 =	vld [tilespmem:s15+$0xFFFFFFD0];
	v16 =	vmul.f32 v16, v54;
	v12 =	vadd.f32 v20, v12;
	v20 =	vmul.f32 v48, v4  }
0x120: {  	v22 =	vld [tilespmem:s15+$0xFFFFFF50];
	v10 =	vadd.f32 v57, v10;
	v17 =	vadd.f32 v17, v23;
	v23 =	vmul.f32 v50, v48  }
0x121: {  	v60 =	vld [tilespmem:s15+$0x50];
	(xrf2) =	vadd.scan.msk.f32 $0xffff, v11;
	v11 =	vadd.f32 v20, v13;
	v13 =	vmul.f32 v36, v5;
	v20 =	vmul.f32 v53, v36  }
0x122: {  	(xrf2) =	vadd.scan.msk.f32 $0xffff, v9;
	v10 =	vadd.f32 v16, v10;
	v9 =	vadd.f32 v23, v14;
	v14 =	vmul.f32 v54, v5;
	v23 =	vld [tilespmem:s16+$0xFFFFFF60]  }
0x123: {  	v12 =	vadd.f32 v13, v12;
	v13 =	vadd.f32 v20, v15;
	v15 =	vmul.f32 v18, v5;
	v20 =	vld [tilespmem:s15+$0xFFFFFF60]  }
0x124: {  	v16 =	vmul.f32 v56, v18;
	v21 =	vmul.f32 v21, v58;
	v14 =	vadd.f32 v14, v17;
	v17 =	vld [tilespmem:s16+$0xFFFFFFE0]  }
0x125: {  	v18 =	vmul.f32 v22, v19;
	v11 =	vadd.f32 v15, v11;
	v15 =	vmul.f32 v19, v6;
	v19 =	vld [tilespmem:s15+$0xFFFFFFE0]  }
0x126: {  	v22 =	vld [tilespmem:s16+$0x60];
	v16 =	vadd.f32 v16, v9;
	v9 =	vmul.f32 v58, v6  }
0x127: {  	v61 =	vld [tilespmem:s15+$0x60];
	v21 =	vadd.f32 v21, v10;
	v15 =	vadd.f32 v15, v12;
	v12 =	vmul.f32 v59, v6  }
0x128: {  	v10 =	vmul.f32 v60, v59;
	v18 =	vadd.f32 v18, v13;
	v14 =	vadd.f32 v9, v14;
	v9 =	vld [tilespmem:s16+$0xFFFFFF70]  }
0x129: {  	v13 =	vmul.f32 v23, v7;
	v20 =	vmul.f32 v20, v23;
	v62 =	vadd.f32 v12, v11;
	v12 =	vld [tilespmem:s15+$0xFFFFFF70]  }
0x12a: {  	v11 =	vld [tilespmem:s16+$0xFFFFFFF0];
	v23 =	vmul.f32 v17, v7;
	v17 =	vmul.f32 v19, v17  }
0x12b: {  	s17 =	simm.s32 $0x0;
	v10 =	vadd.f32 v10, v16;
	v63 =	vmul.f32 v22, v7;
	v19, _, _ =	vpop (xrf2);
	v16 =	vadd.f32 v20, v18;
	v18 =	vld [tilespmem:s15+$0xFFFFFFF0]  }
0x12c: {  	s26 =	simm.s32 $0x0;
	v13 =	vadd.f32 v13, v15;
	v15 =	vld [tilespmem:s16+$0x70];
	[tilespmem:s17+$0x15CB0] =	vst.msk vm0, v19;
	v19, _, _ =	vpop (xrf2);
	v17 =	vadd.f32 v17, v21;
	v21 =	vmul.f32 v61, v22  }
0x12d: {  	s28 =	simm.s32 $0x0;
	s11 =	simm.s32 $0x5F80;
	s16 =	simm.s32 $0x100;
	v20 =	vld [tilespmem:s15+$0x70];
	v14 =	vadd.f32 v23, v14;
	[tilespmem:s17+$0x164B0] =	vst.msk vm0, v19;
	v22 =	vmul.f32 v9, v8;
	v19 =	vadd.f32 v63, v62  }
.LBB2_3:
0x12e: {  	v23 =	vld [tilespmem:s11+$0x80];
	v9 =	vmul.f32 v12, v9;
	v10 =	vadd.f32 v21, v10  }
0x12f: {  	s15 =	sadd.s32 $0x200, s15;
	v12 =	vld [tilespmem:s11+$0x90];
	v13 =	vadd.f32 v22, v13;
	v21 =	vmul.f32 v11, v8  }
0x130: {  	v22 =	vld [tilespmem:s15+$0x80];
	v9 =	vadd.f32 v9, v16;
	v11 =	vmul.f32 v18, v11  }
0x131: {  	v16 =	vld [tilespmem:s15+$0x90];
	v14 =	vadd.f32 v21, v14;
	v18 =	vmul.f32 v15, v8  }
0x132: {  	v21 =	vld [tilespmem:s11+$0xA0];
	v11 =	vadd.f32 v11, v17;
	v15 =	vmul.f32 v20, v15;
	(xrf2) =	vadd.scan.msk.f32 $0xffff, v9  }
0x133: {  	v9 =	vld [tilespmem:s15+$0xA0];
	v17 =	vadd.f32 v18, v19  }
0x134: {  	s28 =	sadd.s32 $0x4, s28;
	v18 =	vld [tilespmem:s11+$0xB0];
	v10 =	vadd.f32 v15, v10  }
0x135: {  	p0 =	slt.u32 s28, $0x7C;
	v15 =	vld [tilespmem:s15+$0xB0];
	(xrf2) =	vadd.scan.msk.f32 $0xffff, v13  }
0x136: {  	v19 =	vmul.f32 v22, v23;
	v13 =	vld [tilespmem:s11+$0xC0];
	v16 =	vmul.f32 v16, v12  }
0x137: {  	v20 =	vld [tilespmem:s15+$0xC0]  }
0x138: {  	v22 =	vld [tilespmem:s11+$0xD0];
	v16 =	vadd.f32 v16, v19;
	v9 =	vmul.f32 v9, v21;
	(xrf2) =	vadd.scan.msk.f32 $0xffff, v11  }
0x139: {  	v12 =	vmul.f32 v12, v2;
	v19 =	vmul.f32 v23, v1;
	v11 =	vld [tilespmem:s15+$0xD0]  }
0x13a: {  	v23 =	vld [tilespmem:s11+$0xE0];
	v9 =	vadd.f32 v9, v16;
	v15 =	vmul.f32 v15, v18  }
0x13b: {  	v12 =	vadd.f32 v12, v19;
	v19 =	vmul.f32 v21, v3;
	v16 =	vld [tilespmem:s15+$0xE0];
	(xrf2) =	vadd.scan.msk.f32 $0xffff, v14  }
0x13c: {  	v14 =	vld [tilespmem:s11+$0xF0];
	v9 =	vadd.f32 v15, v9;
	v24 =	vmul.f32 v20, v13;
	v20, _, _ =	vpop (xrf2)  }
0x13d: {  	v18 =	vmul.f32 v18, v4;
	v12 =	vadd.f32 v19, v12;
	v21 =	vld [tilespmem:s15+$0xF0];
	[tilespmem:s17+$0x15C80] =	vst.msk vm0, v20  }
0x13e: {  	v19 =	vld [tilespmem:s11+$0xFFFFFF10];
	v9 =	vadd.f32 v24, v9;
	v11 =	vmul.f32 v11, v22;
	(xrf2) =	vadd.scan.msk.f32 $0xffff, v10  }
0x13f: {  	v13 =	vmul.f32 v13, v5;
	v12 =	vadd.f32 v18, v12;
	v10 =	vld [tilespmem:s15+$0xFFFFFF00];
	v15, _, _ =	vpop (xrf2)  }
0x140: {  	v18 =	vld [tilespmem:s15+$0xFFFFFF10];
	v9 =	vadd.f32 v11, v9;
	v11 =	vmul.f32 v16, v23;
	[tilespmem:s17+$0x16480] =	vst.msk vm0, v15  }
0x141: {  	v12 =	vadd.f32 v13, v12;
	v13 =	vmul.f32 v22, v6;
	v15 =	vld [tilespmem:s11+$0xFFFFFF80];
	(xrf2) =	vadd.scan.msk.f32 $0xffff, v17  }
0x142: {  	v16 =	vld [tilespmem:s11+$0xFFFFFF90];
	v9 =	vadd.f32 v11, v9;
	v11 =	vmul.f32 v21, v14;
	v17, _, _ =	vpop (xrf2)  }
0x143: {  	v12 =	vadd.f32 v13, v12;
	v13 =	vmul.f32 v23, v7;
	v20 =	vmul.f32 v19, v2;
	v21 =	vld [tilespmem:s15+$0xFFFFFF80];
	[tilespmem:s17+$0x15C90] =	vst.msk vm0, v17  }
0x144: {  	v17 =	vld [tilespmem:s15+$0xFFFFFF90];
	v9 =	vadd.f32 v11, v9  }
0x145: {  	v12 =	vadd.f32 v13, v12;
	v13 =	vmul.f32 v14, v8;
	v11 =	vmul.f32 v18, v19;
	v18 =	vld [tilespmem:s11+$0x0];
	v14, _, _ =	vpop (xrf2)  }
0x146: {  	v19 =	vmul.f32 v15, v1;
	v22 =	vld [tilespmem:s11+$0x10];
	(xrf2) =	vadd.scan.msk.f32 $0xffff, v9;
	[tilespmem:s17+$0x16490] =	vst.msk vm0, v14  }
0x147: {  	v12 =	vadd.f32 v13, v12;
	v9 =	vmul.f32 v16, v2;
	v14 =	vld [tilespmem:s15+$0x0]  }
0x148: {  	v13 =	vmul.f32 v21, v15;
	v15 =	vld [tilespmem:s15+$0x10];
	v21, _, _ =	vpop (xrf2)  }
0x149: {  	v23 =	vld [tilespmem:s11+$0xFFFFFF00];
	v16 =	vmul.f32 v17, v16;
	v9 =	vadd.f32 v9, v19;
	(xrf2) =	vadd.scan.msk.f32 $0xffff, v12;
	[tilespmem:s17+$0x15CA0] =	vst.msk vm0, v21  }
0x14a: {  	v12 =	vld [tilespmem:s11+$0xFFFFFF20];
	v17 =	vmul.f32 v18, v1  }
0x14b: {  	v19 =	vld [tilespmem:s15+$0xFFFFFF20];
	v13 =	vadd.f32 v16, v13;
	v16 =	vmul.f32 v22, v2;
	v21, _, _ =	vpop (xrf2)  }
0x14c: {  	v24 =	vld [tilespmem:s11+$0xFFFFFFA0];
	v14 =	vmul.f32 v14, v18;
	[tilespmem:s17+$0x164A0] =	vst.msk vm0, v21  }
0x14d: {  	v18 =	vld [tilespmem:s15+$0xFFFFFFA0];
	v15 =	vmul.f32 v15, v22;
	v16 =	vadd.f32 v16, v17  }
0x14e: {  	v10 =	vmul.f32 v10, v23;
	v25 =	vmul.f32 v23, v1;
	v21 =	vld [tilespmem:s11+$0x20]  }
0x14f: {  	v22 =	vmul.f32 v12, v3;
	v23 =	vld [tilespmem:s15+$0x20];
	v14 =	vadd.f32 v15, v14  }
0x150: {  	v15 =	vld [tilespmem:s11+$0xFFFFFF30];
	v10 =	vadd.f32 v11, v10;
	v11 =	vadd.f32 v20, v25;
	v12 =	vmul.f32 v19, v12;
	v17, _, _ =	vpop (xrf2)  }
0x151: {  	s26 =	sadd.s32 $0x100, s26;
	v19 =	vld [tilespmem:s15+$0xFFFFFF30];
	v20 =	vmul.f32 v24, v3  }
0x152: {  	s17 =	sshra.s32 s26, $0x2;
	v10 =	vadd.f32 v12, v10;
	v11 =	vadd.f32 v22, v11;
	v12 =	vld [tilespmem:s11+$0xFFFFFFB0];
	v18 =	vmul.f32 v18, v24  }
0x153: {  	v22 =	vld [tilespmem:s15+$0xFFFFFFB0];
	v9 =	vadd.f32 v20, v9;
	v20 =	vmul.f32 v21, v3;
	[tilespmem:s17+$0x15CB0] =	vst.msk vm0, v17;
	v17, _, _ =	vpop (xrf2)  }
0x154: {  	v13 =	vadd.f32 v18, v13;
	v18 =	vld [tilespmem:s11+$0x30];
	v21 =	vmul.f32 v23, v21;
	[tilespmem:s17+$0x164B0] =	vst.msk vm0, v17  }
0x155: {  	v17 =	vmul.f32 v15, v4;
	v23 =	vld [tilespmem:s15+$0x30];
	v16 =	vadd.f32 v20, v16  }
0x156: {  	v20 =	vld [tilespmem:s11+$0xFFFFFF40];
	v15 =	vmul.f32 v19, v15;
	v14 =	vadd.f32 v21, v14  }
0x157: {  	v19 =	vld [tilespmem:s15+$0xFFFFFF40];
	v11 =	vadd.f32 v17, v11;
	v17 =	vmul.f32 v12, v4  }
0x158: {  	v10 =	vadd.f32 v15, v10;
	v15 =	vld [tilespmem:s11+$0xFFFFFFC0];
	v12 =	vmul.f32 v22, v12  }
0x159: {  	v21 =	vld [tilespmem:s15+$0xFFFFFFC0];
	v9 =	vadd.f32 v17, v9;
	v17 =	vmul.f32 v18, v4  }
0x15a: {  	v12 =	vadd.f32 v12, v13;
	v13 =	vld [tilespmem:s11+$0x40];
	v18 =	vmul.f32 v23, v18  }
0x15b: {  	v22 =	vmul.f32 v20, v5;
	v23 =	vld [tilespmem:s15+$0x40];
	v16 =	vadd.f32 v17, v16  }
0x15c: {  	v17 =	vld [tilespmem:s11+$0xFFFFFF50];
	v19 =	vmul.f32 v19, v20;
	v14 =	vadd.f32 v18, v14  }
0x15d: {  	v18 =	vld [tilespmem:s15+$0xFFFFFF50];
	v11 =	vadd.f32 v22, v11;
	v20 =	vmul.f32 v15, v5  }
0x15e: {  	v10 =	vadd.f32 v19, v10;
	v19 =	vld [tilespmem:s11+$0xFFFFFFD0];
	v15 =	vmul.f32 v21, v15  }
0x15f: {  	v21 =	vld [tilespmem:s15+$0xFFFFFFD0];
	v9 =	vadd.f32 v20, v9;
	v20 =	vmul.f32 v13, v5  }
0x160: {  	v12 =	vadd.f32 v15, v12;
	v15 =	vld [tilespmem:s11+$0x50];
	v13 =	vmul.f32 v23, v13  }
0x161: {  	v22 =	vmul.f32 v17, v6;
	v23 =	vld [tilespmem:s15+$0x50];
	v16 =	vadd.f32 v20, v16  }
0x162: {  	v20 =	vld [tilespmem:s11+$0xFFFFFF60];
	v17 =	vmul.f32 v18, v17;
	v13 =	vadd.f32 v13, v14  }
0x163: {  	v14 =	vld [tilespmem:s15+$0xFFFFFF60];
	v11 =	vadd.f32 v22, v11;
	v18 =	vmul.f32 v19, v6  }
0x164: {  	v17 =	vadd.f32 v17, v10;
	v22 =	vld [tilespmem:s11+$0xFFFFFFE0];
	v10 =	vmul.f32 v21, v19  }
0x165: {  	v19 =	vld [tilespmem:s15+$0xFFFFFFE0];
	v21 =	vadd.f32 v18, v9;
	v9 =	vmul.f32 v15, v6  }
0x166: {  	v24 =	vadd.f32 v10, v12;
	v25 =	vld [tilespmem:s11+$0x60];
	v10 =	vmul.f32 v23, v15  }
0x167: {  	v15 =	vmul.f32 v20, v7;
	v23 =	vld [tilespmem:s15+$0x60];
	v26 =	vadd.f32 v9, v16  }
0x168: {  	v9 =	vld [tilespmem:s11+$0xFFFFFF70];
	v14 =	vmul.f32 v14, v20;
	v10 =	vadd.f32 v10, v13  }
.Ltmp0:
0x169: {  	v12 =	vld [tilespmem:s15+$0xFFFFFF70];
	v13 =	vadd.f32 v15, v11;
	v15 =	vmul.f32 v22, v7;
	(pc) =	sbr.rel @p0 .LBB2_3-.Ltmp0, $4  }
0x16a: {  	v16 =	vadd.f32 v14, v17;
	v11 =	vld [tilespmem:s11+$0xFFFFFFF0];
	v17 =	vmul.f32 v19, v22  }
0x16b: {  	v18 =	vld [tilespmem:s15+$0xFFFFFFF0];
	v14 =	vadd.f32 v15, v21;
	v19 =	vmul.f32 v25, v7  }
0x16c: {  	v17 =	vadd.f32 v17, v24;
	v15 =	vld [tilespmem:s11+$0x70];
	v21 =	vmul.f32 v23, v25  }
0x16d: {  	s11 =	sadd.s32 $0x200, s11;
	v22 =	vmul.f32 v9, v8;
	v20 =	vld [tilespmem:s15+$0x70];
	v19 =	vadd.f32 v19, v26  }
0x16e: {  	v9 =	vmul.f32 v12, v9;
	_ =	sdelay $0x1  }
0x16f: {  	v9 =	vadd.f32 v9, v16;
	v12 =	vmul.f32 v18, v11  }
0x170: {  	v13 =	vadd.f32 v22, v13;
	v11 =	vmul.f32 v11, v8  }
0x171: {  	v10 =	vadd.f32 v21, v10;
	v12 =	vadd.f32 v12, v17;
	v16 =	vmul.f32 v20, v15;
	(xrf2) =	vadd.scan.msk.f32 $0xffff, v9  }
0x172: {  	v9 =	vadd.f32 v11, v14;
	v11 =	vmul.f32 v15, v8;
	(xrf2) =	vadd.scan.msk.f32 $0xffff, v13  }
0x173: {  	v10 =	vadd.f32 v16, v10;
	(xrf2) =	vadd.scan.msk.f32 $0xffff, v12  }
0x174: {  	v11 =	vadd.f32 v11, v19;
	(xrf2) =	vadd.scan.msk.f32 $0xffff, v9  }
0x175: {  	(xrf2) =	vadd.scan.msk.f32 $0xffff, v10  }
0x176: {  	(xrf2) =	vadd.scan.msk.f32 $0xffff, v11;
	_ =	sdelay $0x4  }
0x177: {  	v9, _, _ =	vpop (xrf2)  }
0x178: {  	s11 =	simm.s32 $0x0;
	v10, _, _ =	vpop (xrf2);
	[tilespmem:s17+$0x15C80] =	vst.msk vm0, v9  }
0x179: {  	v12 =	vor.u32 s11, v0;
	[tilespmem:s17+$0x16480] =	vst.msk vm0, v10;
	v9, _, _ =	vpop (xrf2)  }
0x17a: {  	[tilespmem:s17+$0x15C90] =	vst.msk vm0, v9;
	v9, _, _ =	vpop (xrf2)  }
0x17b: {  	v14 =	vor.u32 s16, v0;
	[tilespmem:s17+$0x16490] =	vst.msk vm0, v9;
	v9, _, _ =	vpop (xrf2)  }
0x17c: {  	[tilespmem:s17+$0x15CA0] =	vst.msk vm0, v9;
	v9, _, _ =	vpop (xrf2)  }
0x17d: {  	[tilespmem:s17+$0x164A0] =	vst.msk vm0, v9;
	s17 =	simm.s32 $0x200  }
0x17e: {  	v11 =	vld.idx.msk [tilespmem:v12+s23+$0x0], $0xffff;
	v10 =	vor.u32 s17, v0  }
0x17f: {  	s26 =	simm.s32 $0x300  }
0x180: {  	v9 =	vor.u32 s26, v0;
	v15 =	vld.idx.msk [tilespmem:v14+s23+$0x0], $0xffff;
	_ =	sdelay $0x1  }
0x181: {  	s15 =	simm.s32 $0x400  }
0x182: {  	s28 =	simm.s32 $0x500;
	v13 =	vor.u32 s15, v0;
	[tilespmem:s31+$0xFFFFFFF0] =	vst v11;
	v17 =	vld.idx.msk [tilespmem:v10+s23+$0x0], $0xffff  }
0x183: {  	v11 =	vor.u32 s28, v0;
	v18 =	vld.idx.msk [tilespmem:v12+s24+$0x0], $0xffff  }
0x184: {  	v16 =	vld.idx.msk [tilespmem:v9+s23+$0x0], $0xffff;
	[tilespmem:s31+$0x0] =	vst v15  }
0x185: {  	v12 =	vld.idx.msk [tilespmem:v14+s24+$0x0], $0xffff  }
0x186: {  	s11 =	sadd.s32 $0x20, s31  }
0x187: {  	v15 =	vld.idx.msk [tilespmem:v13+s23+$0x0], $0xffff;
	[tilespmem:s11+$0xFFFFFFF0] =	vst v17  }
0x188: {  	s16 =	simm.s32 $0x4;
	s15 =	smov.u32 s30;
	s17 =	simm.s32 $0x700;
	v14 =	vld.idx.msk [tilespmem:v11+s23+$0x0], $0xffff;
	[tilespmem:s30+$0xFFFFFFF0] =	vst v18  }
.LBB2_5:
0x189: {  	s26 =	sadd.s32 $0xFFFFFF00, s17;
	v17 =	vor.u32 s17, v0;
	v18 =	vld.idx.msk [tilespmem:v10+s24+$0x0], $0xffff;
	[tilespmem:s11+$0x0] =	vst v16;
	v10 =	vmov v13;
	s16 =	sadd.s32 $0x2, s16  }
0x18a: {  	v13 =	vor.u32 s26, v0;
	[tilespmem:s15+$0x0] =	vst v12;
	v12 =	vld.idx.msk [tilespmem:v9+s24+$0x0], $0xffff;
	v9 =	vmov v11;
	v11 =	vmov v17;
	p0 =	slt.u32 s16, $0x6  }
.Ltmp1:
0x18b: {  	(pc) =	sbr.rel @p0 .LBB2_5-.Ltmp1, $4  }
0x18c: {  	_ = 	snop  }
0x18d: {  	s11 =	sadd.s32 $0x20, s11;
	v16 =	vmov v14  }
0x18e: {  	s15 =	sadd.s32 $0x20, s15;
	v14 =	vld.idx.msk [tilespmem:v17+s23+$0x0], $0xffff;
	[tilespmem:s11+$0xFFFFFFF0] =	vst v15  }
0x18f: {  	s17 =	sadd.s32 $0x200, s17;
	v15 =	vld.idx.msk [tilespmem:v13+s23+$0x0], $0xffff;
	[tilespmem:s15+$0xFFFFFFF0] =	vst v18  }
0x190: {  	_ =	sdelay $0x3  }
0x191: {  	v10 =	vld.idx.msk [tilespmem:v10+s24+$0x0], $0xffff;
	[tilespmem:s11+$0x0] =	vst v16;
	s26 =	sadd.s32 $0x20, s11  }
0x192: {  	v9 =	vld.idx.msk [tilespmem:v9+s24+$0x0], $0xffff;
	[tilespmem:s26+$0x0] =	vst v14  }
0x193: {  	[tilespmem:s26+$0xFFFFFFF0] =	vst v15;
	v11 =	vld.idx.msk [tilespmem:v11+s24+$0x0], $0xffff  }
0x194: {  	v13 =	vld.idx.msk [tilespmem:v13+s24+$0x0], $0xffff  }
0x195: {  	[tilespmem:s15+$0x0] =	vst v12;
	s28 =	sadd.s32 $0x20, s15  }
0x196: {  	[tilespmem:s28+$0xFFFFFFF0] =	vst v10  }
0x197: {  	s11 =	sadd.s32 $0x20, s28;
	[tilespmem:s28+$0x0] =	vst v9  }
0x198: {  	p0 =	seq.s32 s3, $0x27;
	[tilespmem:s11+$0x0] =	vst v11  }
0x199: {  	s15 =	simm.s32 @!p0 $0x80;
	s16 =	simm.s32 @!p0 $0x5C80;
	[tilespmem:s11+$0xFFFFFFF0] =	vst v13;
	s11 =	sadd.s32 @!p0 $0x100, s14  }
0x19a: {  	[tilespmem:s16], [sflag:$0x1] =	stream.indirect.gather @!p0 [hbm4b:s0+s15], $0x80, s11, s15, $0xb8;
	[tilespmem:$0x1BC80] =	vst v63  }
0x19b: {  	s11 =	sadd.s32 @!p0 $0x2900, s14;
	s14 =	simm.s32 @!p0 $0xDC80  }
0x19c: {  	[tilespmem:s14], [sflag:$0x3] =	stream.indirect.gather @!p0 [hbm4b:s0+s15], $0x80, s11, s15, $0xb8;
	[tilespmem:$0x1BC80] =	vst v63  }
0x19d: {  	_ =	swait.ge [sflag:s18], $0x4000  }
0x19e: {  	[sflag:s18] =	ssyncset.done $0x0  }
0x19f: {  	[sflag:s18] =	ssyncadd.s32 $0xFFFFC000  }
0x1a0: {  	_ =	swait.ge [sflag:s25], $0x4000  }
0x1a1: {  	[sflag:s25] =	ssyncset.done $0x0  }
0x1a2: {  	s14 =	simm.s32 $0x0;
	[sflag:s25] =	ssyncadd.s32 $0xFFFFC000  }
0x1a3: {  	v9 =	vld [tilespmem:s14+$0x9E00]  }
0x1a4: {  	v10 =	vld [tilespmem:s14+$0x9E10]  }
0x1a5: {  	v11 =	vld [tilespmem:s14+$0x11E00]  }
0x1a6: {  	v12 =	vld [tilespmem:s14+$0x11E10]  }
0x1a7: {  	v13 =	vld [tilespmem:s14+$0x9E20]  }
0x1a8: {  	v14 =	vld [tilespmem:s14+$0x11E20]  }
0x1a9: {  	v15 =	vld [tilespmem:s14+$0x9E30]  }
0x1aa: {  	v16 =	vld [tilespmem:s14+$0x11E30]  }
0x1ab: {  	v17 =	vld [tilespmem:s14+$0x9E40]  }
0x1ac: {  	v18 =	vld [tilespmem:s14+$0x11E40]  }
0x1ad: {  	v19 =	vld [tilespmem:s14+$0x9E50]  }
0x1ae: {  	v20 =	vld [tilespmem:s14+$0x11E50]  }
0x1af: {  	v21 =	vld [tilespmem:s14+$0x9E60]  }
0x1b0: {  	v22 =	vld [tilespmem:s14+$0x11E60]  }
0x1b1: {  	v23 =	vld [tilespmem:s14+$0x9E70]  }
0x1b2: {  	v24 =	vld [tilespmem:s14+$0x11E70]  }
0x1b3: {  	v25 =	vld [tilespmem:s14+$0x9C80]  }
0x1b4: {  	v26 =	vld [tilespmem:s14+$0x9C90]  }
0x1b5: {  	v27 =	vld [tilespmem:s14+$0x11C80]  }
0x1b6: {  	v28 =	vld [tilespmem:s14+$0x11C90]  }
0x1b7: {  	v29 =	vld [tilespmem:s14+$0x9D00]  }
0x1b8: {  	v30 =	vld [tilespmem:s14+$0x9D10]  }
0x1b9: {  	v31 =	vld [tilespmem:s14+$0x11D00]  }
0x1ba: {  	v32 =	vld [tilespmem:s14+$0x11D10]  }
0x1bb: {  	v33 =	vld [tilespmem:s14+$0x9D90]  }
0x1bc: {  	v43 =	vld [tilespmem:s14+$0x9CB0]  }
0x1bd: {  	v46 =	vld [tilespmem:s14+$0x9DB0];
	v11 =	vmul.f32 v11, v9;
	v12 =	vmul.f32 v12, v10  }
0x1be: {  	v47 =	vld [tilespmem:s14+$0x11DB0];
	v9 =	vmul.f32 v9, v1;
	v10 =	vmul.f32 v10, v2  }
0x1bf: {  	v50 =	vld [tilespmem:s14+$0x9CC0];
	v34 =	vmul.f32 v25, v1;
	v11 =	vadd.f32 v12, v11;
	v12 =	vmul.f32 v14, v13  }
0x1c0: {  	v53 =	vld [tilespmem:s14+$0x9D40];
	v35 =	vmul.f32 v26, v2;
	v9 =	vadd.f32 v10, v9;
	v10 =	vmul.f32 v13, v3  }
0x1c1: {  	v54 =	vld [tilespmem:s14+$0x11D40];
	v25 =	vmul.f32 v27, v25;
	v11 =	vadd.f32 v12, v11;
	v12 =	vmul.f32 v16, v15  }
0x1c2: {  	v26 =	vmul.f32 v28, v26;
	v14 =	vld [tilespmem:s14+$0x9D80];
	v9 =	vadd.f32 v10, v9;
	v10 =	vmul.f32 v15, v4  }
0x1c3: {  	v45 =	vmul.f32 v29, v1;
	v13 =	vld [tilespmem:s14+$0x11D90];
	v11 =	vadd.f32 v12, v11;
	v12 =	vmul.f32 v18, v17  }
0x1c4: {  	v29 =	vmul.f32 v31, v29;
	v16 =	vld [tilespmem:s14+$0x11D80];
	v9 =	vadd.f32 v10, v9;
	v10 =	vmul.f32 v17, v5  }
0x1c5: {  	v48 =	vmul.f32 v32, v30;
	v15 =	vld [tilespmem:s14+$0x11CA0];
	v11 =	vadd.f32 v12, v11;
	v12 =	vmul.f32 v20, v19  }
0x1c6: {  	v51 =	vmul.f32 v33, v2;
	v18 =	vld [tilespmem:s14+$0x9CA0];
	v9 =	vadd.f32 v10, v9;
	v10 =	vmul.f32 v19, v6  }
0x1c7: {  	v44 =	vadd.f32 v35, v34;
	v17 =	vld [tilespmem:s14+$0x11D20];
	v11 =	vadd.f32 v12, v11;
	v12 =	vmul.f32 v22, v21  }
0x1c8: {  	v25 =	vadd.f32 v26, v25;
	v20 =	vld [tilespmem:s14+$0x9D20];
	v9 =	vadd.f32 v10, v9;
	v10 =	vmul.f32 v21, v7  }
0x1c9: {  	v49 =	vmul.f32 v14, v1;
	v13 =	vmul.f32 v13, v33;
	v19 =	vld [tilespmem:s14+$0x11DA0];
	v11 =	vadd.f32 v12, v11  }
0x1ca: {  	v22 =	vld [tilespmem:s14+$0x9DA0];
	v12 =	vmul.f32 v24, v23;
	v9 =	vadd.f32 v10, v9;
	v10 =	vmul.f32 v23, v8  }
0x1cb: {  	v26 =	vadd.f32 v48, v29;
	v14 =	vmul.f32 v16, v14;
	v52 =	vmul.f32 v18, v3;
	v23 =	vld [tilespmem:s14+$0x11D30]  }
0x1cc: {  	v11 =	vadd.f32 v12, v11;
	v12 =	vld [tilespmem:s14+$0x9D30];
	v9 =	vadd.f32 v10, v9;
	v10 =	vmul.f32 v30, v2  }
0x1cd: {  	v28 =	vadd.f32 v51, v49;
	v21 =	vld [tilespmem:s14+$0x11CB0];
	v15 =	vmul.f32 v15, v18;
	v13 =	vadd.f32 v13, v14  }
0x1ce: {  	v55 =	vld [tilespmem:s14+$0x11DC0];
	v18 =	vmul.f32 v20, v3;
	v14 =	vadd.f32 v52, v44;
	v10 =	vadd.f32 v10, v45  }
0x1cf: {  	v56 =	vld [tilespmem:s14+$0x9CD0];
	v17 =	vmul.f32 v17, v20;
	v15 =	vadd.f32 v15, v25;
	v19 =	vmul.f32 v19, v22  }
0x1d0: {  	v58 =	vld [tilespmem:s14+$0x11CD0];
	v10 =	vadd.f32 v18, v10;
	v18 =	vmul.f32 v22, v3;
	v22 =	vmul.f32 v43, v4  }
0x1d1: {  	v16 =	vld [tilespmem:s14+$0x11CC0];
	v17 =	vadd.f32 v17, v26;
	v57 =	vmul.f32 v12, v4;
	v12 =	vmul.f32 v23, v12  }
0x1d2: {  	v20 =	vld [tilespmem:s14+$0x9DC0];
	v21 =	vmul.f32 v21, v43;
	v13 =	vadd.f32 v19, v13;
	v14 =	vadd.f32 v22, v14  }
0x1d3: {  	(xrf2) =	vadd.scan.msk.f32 $0xffff, v11;
	v19 =	vld [tilespmem:s14+$0x9D50];
	v11 =	vadd.f32 v12, v17;
	v12 =	vmul.f32 v47, v46;
	v17 =	vmul.f32 v50, v5  }
0x1d4: {  	v15 =	vadd.f32 v21, v15;
	v21 =	vmul.f32 v46, v4;
	v18 =	vadd.f32 v18, v28;
	v22 =	vld [tilespmem:s14+$0x11D50]  }
0x1d5: {  	v59 =	vld [tilespmem:s14+$0x9D60];
	v12 =	vadd.f32 v12, v13;
	v13 =	vadd.f32 v17, v14;
	v14 =	vmul.f32 v54, v53  }
0x1d6: {  	v16 =	vmul.f32 v16, v50;
	(xrf2) =	vadd.scan.msk.f32 $0xffff, v9;
	v10 =	vadd.f32 v57, v10;
	v9 =	vadd.f32 v21, v18;
	v17 =	vld [tilespmem:s14+$0x9CE0]  }
0x1d7: {  	v23 =	vld [tilespmem:s14+$0x9DD0];
	v18 =	vmul.f32 v53, v5;
	v11 =	vadd.f32 v14, v11;
	v14 =	vmul.f32 v55, v20  }
0x1d8: {  	v15 =	vadd.f32 v16, v15;
	v16 =	vmul.f32 v20, v5;
	v21 =	vld [tilespmem:s14+$0x11DD0]  }
0x1d9: {  	v10 =	vadd.f32 v18, v10;
	v18 =	vld [tilespmem:s14+$0x11CE0];
	v12 =	vadd.f32 v14, v12;
	v14 =	vmul.f32 v22, v19  }
0x1da: {  	v61 =	vld [tilespmem:s14+$0x11D60];
	v60 =	vmul.f32 v19, v6;
	v9 =	vadd.f32 v16, v9;
	v16 =	vmul.f32 v58, v56  }
0x1db: {  	v20 =	vmul.f32 v56, v6;
	v22 =	vld [tilespmem:s14+$0x9DE0];
	v63 =	vadd.f32 v14, v11;
	v14 =	vmul.f32 v17, v7  }
0x1dc: {  	v62 =	vld [tilespmem:s14+$0x11DE0];
	v16 =	vadd.f32 v16, v15;
	v15 =	vmul.f32 v23, v6  }
0x1dd: {  	v13 =	vadd.f32 v20, v13;
	v20 =	vadd.f32 v60, v10;
	v10 =	vld [tilespmem:s14+$0x9CF0];
	v11 =	vmul.f32 v21, v23  }
0x1de: {  	v9 =	vadd.f32 v15, v9;
	v15 =	vld [tilespmem:s14+$0x11CF0];
	v17 =	vmul.f32 v18, v17;
	v18 =	vmul.f32 v59, v7  }
0x1df: {  	v21 =	vmul.f32 v61, v59;
	v11 =	vadd.f32 v11, v12;
	v12 =	vadd.f32 v14, v13;
	v13 =	vld [tilespmem:s14+$0x9D70];
	v14, _, _ =	vpop (xrf2)  }
0x1e0: {  	s17 =	simm.s32 $0x0;
	s26 =	simm.s32 $0x800;
	v19 =	vld [tilespmem:s14+$0x11D70];
	[tilespmem:s14+$0x15CB0] =	vst.msk vm0, v14;
	v23, _, _ =	vpop (xrf2);
	v14 =	vadd.f32 v18, v20;
	v20 =	vmul.f32 v22, v7  }
0x1e1: {  	s16 =	simm.s32 $0x0;
	s15 =	simm.s32 $0x0;
	s11 =	simm.s32 $0x0;
	v17 =	vadd.f32 v17, v16;
	v16 =	vld [tilespmem:s14+$0x9DF0];
	v18 =	vadd.f32 v21, v63;
	v21 =	vmul.f32 v62, v22;
	[tilespmem:s14+$0x164B0] =	vst.msk vm0, v23  }
.LBB2_7:
0x1e2: {  	v22 =	vmul.f32 v10, v8;
	v23 =	vld [tilespmem:s14+$0x11DF0];
	s14 =	sshra.s32 s26, $0x2;
	v9 =	vadd.f32 v20, v9  }
0x1e3: {  	v20 =	vld [tilespmem:s14+$0x9E00];
	v10 =	vmul.f32 v15, v10;
	v11 =	vadd.f32 v21, v11  }
0x1e4: {  	v15 =	vld [tilespmem:s14+$0x9E10];
	v12 =	vadd.f32 v22, v12;
	v21 =	vmul.f32 v13, v8  }
0x1e5: {  	v22 =	vld [tilespmem:s14+$0x11E00];
	v10 =	vadd.f32 v10, v17;
	v13 =	vmul.f32 v19, v13  }
0x1e6: {  	v17 =	vld [tilespmem:s14+$0x11E10];
	v14 =	vadd.f32 v21, v14;
	v19 =	vmul.f32 v16, v8  }
0x1e7: {  	v21 =	vld [tilespmem:s14+$0x9E20];
	v13 =	vadd.f32 v13, v18;
	v16 =	vmul.f32 v23, v16;
	(xrf2) =	vadd.scan.msk.f32 $0xffff, v10  }
0x1e8: {  	s17 =	sadd.s32 $0x4, s17;
	v10 =	vld [tilespmem:s14+$0x11E20];
	v9 =	vadd.f32 v19, v9  }
0x1e9: {  	p0 =	slt.u32 s17, $0x7C;
	v18 =	vld [tilespmem:s14+$0x9E30];
	v11 =	vadd.f32 v16, v11  }
0x1ea: {  	v16 =	vld [tilespmem:s14+$0x11E30];
	(xrf2) =	vadd.scan.msk.f32 $0xffff, v12  }
0x1eb: {  	v19 =	vmul.f32 v22, v20;
	v12 =	vld [tilespmem:s14+$0x9E40];
	v17 =	vmul.f32 v17, v15  }
0x1ec: {  	v22 =	vld [tilespmem:s14+$0x11E40]  }
0x1ed: {  	v23 =	vld [tilespmem:s14+$0x9E50];
	v17 =	vadd.f32 v17, v19;
	v10 =	vmul.f32 v10, v21;
	(xrf2) =	vadd.scan.msk.f32 $0xffff, v13  }
0x1ee: {  	v15 =	vmul.f32 v15, v2;
	v19 =	vmul.f32 v20, v1;
	v13 =	vld [tilespmem:s14+$0x11E50]  }
0x1ef: {  	v20 =	vld [tilespmem:s14+$0x9E60];
	v10 =	vadd.f32 v10, v17;
	v16 =	vmul.f32 v16, v18  }
0x1f0: {  	v15 =	vadd.f32 v15, v19;
	v19 =	vmul.f32 v21, v3;
	v17 =	vld [tilespmem:s14+$0x11E60];
	(xrf2) =	vadd.scan.msk.f32 $0xffff, v14  }
0x1f1: {  	v14 =	vld [tilespmem:s14+$0x9E70];
	v10 =	vadd.f32 v16, v10;
	v24 =	vmul.f32 v22, v12;
	v21, _, _ =	vpop (xrf2)  }
0x1f2: {  	v18 =	vmul.f32 v18, v4;
	v15 =	vadd.f32 v19, v15;
	v22 =	vld [tilespmem:s14+$0x11E70];
	[tilespmem:s16+$0x15C80] =	vst.msk vm0, v21  }
0x1f3: {  	v19 =	vld [tilespmem:s14+$0x9C80];
	v10 =	vadd.f32 v24, v10;
	v13 =	vmul.f32 v13, v23;
	(xrf2) =	vadd.scan.msk.f32 $0xffff, v11  }
0x1f4: {  	v12 =	vmul.f32 v12, v5;
	v15 =	vadd.f32 v18, v15;
	v11 =	vld [tilespmem:s14+$0x9C90];
	v16, _, _ =	vpop (xrf2)  }
0x1f5: {  	v18 =	vld [tilespmem:s14+$0x11C80];
	v10 =	vadd.f32 v13, v10;
	v13 =	vmul.f32 v17, v20;
	[tilespmem:s16+$0x16480] =	vst.msk vm0, v16  }
0x1f6: {  	v12 =	vadd.f32 v12, v15;
	v15 =	vmul.f32 v23, v6;
	v16 =	vld [tilespmem:s14+$0x11C90];
	(xrf2) =	vadd.scan.msk.f32 $0xffff, v9  }
0x1f7: {  	v9 =	vld [tilespmem:s14+$0x9D00];
	v10 =	vadd.f32 v13, v10;
	v13 =	vmul.f32 v22, v14;
	v17, _, _ =	vpop (xrf2)  }
0x1f8: {  	v23 =	vmul.f32 v20, v7;
	v12 =	vadd.f32 v15, v12;
	v21 =	vmul.f32 v19, v1;
	v22 =	vld [tilespmem:s14+$0x9D10];
	[tilespmem:s16+$0x15C90] =	vst.msk vm0, v17  }
0x1f9: {  	v17 =	vmul.f32 v11, v2;
	v20 =	vld [tilespmem:s14+$0x11D00];
	v10 =	vadd.f32 v13, v10  }
0x1fa: {  	v14 =	vmul.f32 v14, v8;
	v12 =	vadd.f32 v23, v12;
	v13 =	vmul.f32 v18, v19;
	v18 =	vld [tilespmem:s14+$0x11D10];
	v15, _, _ =	vpop (xrf2)  }
0x1fb: {  	v11 =	vmul.f32 v16, v11;
	v16 =	vadd.f32 v17, v21;
	v17 =	vld [tilespmem:s14+$0x9D80];
	(xrf2) =	vadd.scan.msk.f32 $0xffff, v10;
	[tilespmem:s16+$0x16490] =	vst.msk vm0, v15  }
0x1fc: {  	v12 =	vadd.f32 v14, v12;
	v10 =	vmul.f32 v9, v1;
	v15 =	vld [tilespmem:s14+$0x9D90]  }
0x1fd: {  	v11 =	vadd.f32 v11, v13;
	v13 =	vmul.f32 v22, v2;
	v14 =	vld [tilespmem:s14+$0x11D80];
	v19, _, _ =	vpop (xrf2)  }
0x1fe: {  	v9 =	vmul.f32 v20, v9;
	v20 =	vld [tilespmem:s14+$0x11D90];
	(xrf2) =	vadd.scan.msk.f32 $0xffff, v12;
	[tilespmem:s16+$0x15CA0] =	vst.msk vm0, v19  }
0x1ff: {  	v12 =	vld [tilespmem:s14+$0x9CA0];
	v18 =	vmul.f32 v18, v22;
	v10 =	vadd.f32 v13, v10  }
0x200: {  	v13 =	vld [tilespmem:s14+$0x11CA0];
	v19 =	vmul.f32 v17, v1;
	v21, _, _ =	vpop (xrf2)  }
0x201: {  	v22 =	vld [tilespmem:s14+$0x9D20];
	v9 =	vadd.f32 v18, v9;
	v18 =	vmul.f32 v15, v2;
	[tilespmem:s16+$0x164A0] =	vst.msk vm0, v21  }
0x202: {  	v21 =	vld [tilespmem:s14+$0x11D20];
	v24 =	vmul.f32 v14, v17  }
0x203: {  	v17 =	vld [tilespmem:s14+$0x9DA0];
	v15 =	vmul.f32 v20, v15;
	v18 =	vadd.f32 v18, v19  }
0x204: {  	v19 =	vmul.f32 v12, v3;
	v20 =	vld [tilespmem:s14+$0x11DA0]  }
0x205: {  	v23 =	vld [tilespmem:s14+$0x9CB0];
	v12 =	vmul.f32 v13, v12;
	v13 =	vadd.f32 v15, v24;
	v14, _, _ =	vpop (xrf2)  }
0x206: {  	s11 =	sadd.s32 $0x100, s11;
	v15 =	vld [tilespmem:s14+$0x11CB0];
	v16 =	vadd.f32 v19, v16;
	v19 =	vmul.f32 v22, v3  }
0x207: {  	s16 =	sshra.s32 s11, $0x2;
	v11 =	vadd.f32 v12, v11;
	v12 =	vld [tilespmem:s14+$0x9D30];
	v21 =	vmul.f32 v21, v22  }
0x208: {  	v22 =	vld [tilespmem:s14+$0x11D30];
	v10 =	vadd.f32 v19, v10;
	v19 =	vmul.f32 v17, v3;
	[tilespmem:s16+$0x15CB0] =	vst.msk vm0, v14;
	v14, _, _ =	vpop (xrf2)  }
0x209: {  	v9 =	vadd.f32 v21, v9;
	v21 =	vld [tilespmem:s14+$0x9DB0];
	v17 =	vmul.f32 v20, v17;
	[tilespmem:s16+$0x164B0] =	vst.msk vm0, v14  }
0x20a: {  	v14 =	vmul.f32 v23, v4;
	v20 =	vld [tilespmem:s14+$0x11DB0];
	v18 =	vadd.f32 v19, v18  }
0x20b: {  	v19 =	vld [tilespmem:s14+$0x9CC0];
	v15 =	vmul.f32 v15, v23;
	v13 =	vadd.f32 v17, v13  }
0x20c: {  	v17 =	vld [tilespmem:s14+$0x11CC0];
	v14 =	vadd.f32 v14, v16;
	v16 =	vmul.f32 v12, v4  }
0x20d: {  	v11 =	vadd.f32 v15, v11;
	v15 =	vld [tilespmem:s14+$0x9D40];
	v12 =	vmul.f32 v22, v12  }
0x20e: {  	v22 =	vld [tilespmem:s14+$0x11D40];
	v10 =	vadd.f32 v16, v10;
	v16 =	vmul.f32 v21, v4  }
0x20f: {  	v9 =	vadd.f32 v12, v9;
	v12 =	vld [tilespmem:s14+$0x9DC0];
	v20 =	vmul.f32 v20, v21  }
0x210: {  	v21 =	vmul.f32 v19, v5;
	v23 =	vld [tilespmem:s14+$0x11DC0];
	v16 =	vadd.f32 v16, v18  }
0x211: {  	v18 =	vld [tilespmem:s14+$0x9CD0];
	v17 =	vmul.f32 v17, v19;
	v13 =	vadd.f32 v20, v13  }
0x212: {  	v19 =	vld [tilespmem:s14+$0x11CD0];
	v14 =	vadd.f32 v21, v14;
	v20 =	vmul.f32 v15, v5  }
0x213: {  	v11 =	vadd.f32 v17, v11;
	v17 =	vld [tilespmem:s14+$0x9D50];
	v15 =	vmul.f32 v22, v15  }
0x214: {  	v21 =	vld [tilespmem:s14+$0x11D50];
	v10 =	vadd.f32 v20, v10;
	v20 =	vmul.f32 v12, v5  }
0x215: {  	v9 =	vadd.f32 v15, v9;
	v15 =	vld [tilespmem:s14+$0x9DD0];
	v12 =	vmul.f32 v23, v12  }
0x216: {  	v22 =	vmul.f32 v18, v6;
	v23 =	vld [tilespmem:s14+$0x11DD0];
	v16 =	vadd.f32 v20, v16  }
0x217: {  	v20 =	vld [tilespmem:s14+$0x9CE0];
	v18 =	vmul.f32 v19, v18;
	v12 =	vadd.f32 v12, v13  }
0x218: {  	v13 =	vld [tilespmem:s14+$0x11CE0];
	v14 =	vadd.f32 v22, v14;
	v19 =	vmul.f32 v17, v6  }
0x219: {  	v18 =	vadd.f32 v18, v11;
	v22 =	vld [tilespmem:s14+$0x9D60];
	v11 =	vmul.f32 v21, v17  }
0x21a: {  	v21 =	vld [tilespmem:s14+$0x11D60];
	v24 =	vadd.f32 v19, v10;
	v10 =	vmul.f32 v15, v6  }
0x21b: {  	v25 =	vadd.f32 v11, v9;
	v26 =	vld [tilespmem:s14+$0x9DE0];
	v11 =	vmul.f32 v23, v15  }
0x21c: {  	v17 =	vmul.f32 v20, v7;
	v23 =	vld [tilespmem:s14+$0x11DE0];
	v9 =	vadd.f32 v10, v16  }
.Ltmp2:
0x21d: {  	v10 =	vld [tilespmem:s14+$0x9CF0];
	v13 =	vmul.f32 v13, v20;
	v11 =	vadd.f32 v11, v12;
	(pc) =	sbr.rel @p0 .LBB2_7-.Ltmp2, $4  }
0x21e: {  	v15 =	vld [tilespmem:s14+$0x11CF0];
	v12 =	vadd.f32 v17, v14;
	v14 =	vmul.f32 v22, v7  }
0x21f: {  	v17 =	vadd.f32 v13, v18;
	v13 =	vld [tilespmem:s14+$0x9D70];
	v16 =	vmul.f32 v21, v22  }
0x220: {  	v19 =	vld [tilespmem:s14+$0x11D70];
	v14 =	vadd.f32 v14, v24;
	v20 =	vmul.f32 v26, v7  }
0x221: {  	s26 =	sadd.s32 $0x800, s26;
	v18 =	vadd.f32 v16, v25;
	v16 =	vld [tilespmem:s14+$0x9DF0];
	v21 =	vmul.f32 v23, v26  }
0x222: {  	v22 =	vld [tilespmem:s14+$0x11DF0]  }
0x223: {  	v15 =	vmul.f32 v15, v10  }
0x224: {  	v10 =	vmul.f32 v10, v8  }
0x225: {  	v15 =	vadd.f32 v15, v17;
	v17 =	vmul.f32 v19, v13  }
0x226: {  	v10 =	vadd.f32 v10, v12;
	v12 =	vmul.f32 v13, v8  }
0x227: {  	v11 =	vadd.f32 v21, v11;
	v13 =	vadd.f32 v17, v18;
	v17 =	vmul.f32 v22, v16;
	(xrf2) =	vadd.scan.msk.f32 $0xffff, v15  }
0x228: {  	v9 =	vadd.f32 v20, v9;
	v12 =	vadd.f32 v12, v14;
	v14 =	vmul.f32 v16, v8;
	(xrf2) =	vadd.scan.msk.f32 $0xffff, v10  }
0x229: {  	v10 =	vadd.f32 v17, v11;
	(xrf2) =	vadd.scan.msk.f32 $0xffff, v13  }
0x22a: {  	v9 =	vadd.f32 v14, v9;
	(xrf2) =	vadd.scan.msk.f32 $0xffff, v12  }
0x22b: {  	(xrf2) =	vadd.scan.msk.f32 $0xffff, v10  }
0x22c: {  	(xrf2) =	vadd.scan.msk.f32 $0xffff, v9;
	_ =	sdelay $0x4  }
0x22d: {  	v9, _, _ =	vpop (xrf2)  }
0x22e: {  	s11 =	simm.s32 $0x100;
	v10, _, _ =	vpop (xrf2);
	[tilespmem:s16+$0x15C80] =	vst.msk vm0, v9  }
0x22f: {  	v12 =	vor.u32 s11, v0;
	[tilespmem:s16+$0x16480] =	vst.msk vm0, v10;
	v9, _, _ =	vpop (xrf2)  }
0x230: {  	[tilespmem:s16+$0x15C90] =	vst.msk vm0, v9;
	v9, _, _ =	vpop (xrf2)  }
0x231: {  	v13 =	vor.u32 s15, v0;
	[tilespmem:s16+$0x16490] =	vst.msk vm0, v9;
	v9, _, _ =	vpop (xrf2)  }
0x232: {  	[tilespmem:s16+$0x15CA0] =	vst.msk vm0, v9;
	v9, _, _ =	vpop (xrf2)  }
0x233: {  	[tilespmem:s16+$0x164A0] =	vst.msk vm0, v9;
	s16 =	simm.s32 $0x300  }
0x234: {  	v11 =	vld.idx.msk [tilespmem:v12+s23+$0x0], $0xffff;
	v9 =	vor.u32 s16, v0  }
0x235: {  	s17 =	simm.s32 $0x200  }
0x236: {  	v10 =	vor.u32 s17, v0;
	v14 =	vld.idx.msk [tilespmem:v13+s23+$0x0], $0xffff;
	_ =	sdelay $0x1  }
0x237: {  	s26 =	simm.s32 $0x400  }
0x238: {  	s28 =	simm.s32 $0x500;
	[tilespmem:s2+$0x0] =	vst v11;
	v15 =	vld.idx.msk [tilespmem:v9+s23+$0x0], $0xffff;
	v11 =	vor.u32 s26, v0  }
0x239: {  	v17 =	vld.idx.msk [tilespmem:v12+s24+$0x0], $0xffff;
	v12 =	vor.u32 s28, v0  }
0x23a: {  	v16 =	vld.idx.msk [tilespmem:v10+s23+$0x0], $0xffff;
	[tilespmem:s2+$0xFFFFFFF0] =	vst v14  }
0x23b: {  	v13 =	vld.idx.msk [tilespmem:v13+s24+$0x0], $0xffff  }
0x23c: {  	s11 =	sadd.s32 $0x20, s2  }
0x23d: {  	v14 =	vld.idx.msk [tilespmem:v11+s23+$0x0], $0xffff;
	[tilespmem:s11+$0x0] =	vst v15  }
0x23e: {  	s14 =	smov.u32 s1;
	s15 =	simm.s32 $0x4;
	s16 =	simm.s32 $0x600;
	v15 =	vld.idx.msk [tilespmem:v12+s23+$0x0], $0xffff;
	[tilespmem:s1+$0x0] =	vst v17  }
.LBB2_9:
0x23f: {  	v17 =	vor.u32 s16, v0;
	s17 =	sadd.s32 $0x100, s16;
	[tilespmem:s11+$0xFFFFFFF0] =	vst v16;
	v18 =	vld.idx.msk [tilespmem:v9+s24+$0x0], $0xffff;
	v9 =	vmov v12;
	s15 =	sadd.s32 $0x2, s15  }
0x240: {  	v12 =	vor.u32 s17, v0;
	[tilespmem:s14+$0xFFFFFFF0] =	vst v13;
	v13 =	vld.idx.msk [tilespmem:v10+s24+$0x0], $0xffff;
	v10 =	vmov v11;
	v11 =	vmov v17;
	p0 =	slt.u32 s15, $0x6  }
.Ltmp3:
0x241: {  	(pc) =	sbr.rel @p0 .LBB2_9-.Ltmp3, $4  }
0x242: {  	_ = 	snop  }
0x243: {  	s11 =	sadd.s32 $0x20, s11;
	v16 =	vmov v14  }
0x244: {  	s14 =	sadd.s32 $0x20, s14;
	v14 =	vld.idx.msk [tilespmem:v17+s23+$0x0], $0xffff;
	[tilespmem:s11+$0x0] =	vst v15  }
0x245: {  	s16 =	sadd.s32 $0x200, s16;
	v15 =	vld.idx.msk [tilespmem:v12+s23+$0x0], $0xffff;
	[tilespmem:s14+$0x0] =	vst v18  }
0x246: {  	_ =	sdelay $0x3  }
0x247: {  	[tilespmem:s11+$0xFFFFFFF0] =	vst v16;
	v9 =	vld.idx.msk [tilespmem:v9+s24+$0x0], $0xffff;
	s26 =	sadd.s32 $0x20, s11  }
0x248: {  	v10 =	vld.idx.msk [tilespmem:v10+s24+$0x0], $0xffff;
	[tilespmem:s26+$0xFFFFFFF0] =	vst v14  }
0x249: {  	s3 =	sadd.s32 $0x1, s3;
	[tilespmem:s26+$0x0] =	vst v15;
	v11 =	vld.idx.msk [tilespmem:v11+s24+$0x0], $0xffff  }
0x24a: {  	p0 =	sne.s32 s3, $0x28;
	v12 =	vld.idx.msk [tilespmem:v12+s24+$0x0], $0xffff  }
.Ltmp4:
0x24b: {  	[tilespmem:s14+$0xFFFFFFF0] =	vst v13;
	s28 =	sadd.s32 $0x20, s14;
	(pc) =	sbr.rel @p0 .LBB2_2-.Ltmp4, $4  }
0x24c: {  	[tilespmem:s28+$0x0] =	vst v9  }
0x24d: {  	s11 =	sadd.s32 $0x20, s28;
	[tilespmem:s28+$0xFFFFFFF0] =	vst v10  }
0x24e: {  	s30 =	sadd.s32 $0x100, s30;
	[tilespmem:s11+$0xFFFFFFF0] =	vst v11  }
0x24f: {  	s31 =	sadd.s32 $0x100, s31;
	s2 =	sadd.s32 $0x100, s2;
	s1 =	sadd.s32 $0x100, s1;
	[tilespmem:s11+$0x0] =	vst v12  }
0x250: {  	s1 =	simm.s32 $0x16C80  }
0x251: {  	[hbm4b:s7+s4] =	stream.linear.scatter [tilespmem:s1], [sflag:$0x5], $0x2800, $0x38;
	[tilespmem:$0x1BC80] =	vst v63  }
0x252: {  	s29 =	sadd.s32 $0x1, s29;
	_ =	swait.ge [sflag:s10], $0x2800  }
0x253: {  	p0 =	sne.s32 s29, s9;
	[sflag:s10] =	ssyncset.done $0x0  }
.Ltmp5:
0x254: {  	s31 =	simm.s32 $0x19480;
	[sflag:s10] =	ssyncadd.s32 $0xFFFFD800;
	(pc) =	sbr.rel @p0 .LBB2_1-.Ltmp5, $4  }
0x255: {  	[hbm4b:s8+s4] =	stream.linear.scatter [tilespmem:s31], [sflag:$0x5], $0x2800, $0x38;
	[tilespmem:$0x1BC80] =	vst v63  }
0x256: {  	_ =	swait.ge [sflag:s10], $0x2800  }
0x257: {  	[sflag:s10] =	ssyncset.done $0x0  }
0x258: {  	[sflag:s10] =	ssyncadd.s32 $0xFFFFD800  }
0x259: {  	_ =	sfence.sel $0x180000  }
0x25a: {  	[bflag:$0x0] =	sbarrier.arrive $0xFFFF  }
0x25b: {  	_ =	strace $0x90000047  }
0x25c: {  	s0 =	stileid.u32;
	[bflag:$0x2] =	sbarrier.arrive $0xFFFF  }
0x25d: {  	p0 =	sne.s32 s0, $0x0;
	s0 =	rddreg [dreg:$0x5]  }
0x25e: {  	s0 =	sadd.s32 @!p0 $0x100000, s0  }
0x25f: {  	[sflag:s0] =	ssyncadd.tile.s32 @!p0 $0x1;
	_ =	shalt  }
.Lfunc_end2:
_tile_overlayer_lowered:
.L_overlay_start_2:
0x260: {  	(tag) =	ssettag $0x2  }
0x261: {  	s0 =	rddreg [dreg:$0x0];
	s2 =	stileid.u32  }
0x262: {  	s1 =	rddreg [dreg:$0x1];
	p0 =	sne.s32 s2, $0x0  }
0x263: {  	s3 =	rddreg [dreg:$0x2];
	[bflag:$0x3] =	sbarrier.arrive $0xFFFF;
	s2 =	simm.s32 @!p0 $0x1C05  }
0x264: {  	[timem:s3], [sflag:s2] =	dma.local @!p0 [hbm:s0], s1  }
0x265: {  	s0 =	simm.s32 @!p0 $0x5  }
0x266: {  	_ =	swait.ge @!p0 [sflag:s0], s1  }
0x267: {  	s1 =	ssub.s32 @!p0 $0x0, s1;
	[sflag:s0] =	ssyncset.done @!p0 $0x0  }
0x268: {  	[sflag:s0] =	ssyncadd.s32 @!p0 s1  }
0x269: {  	[bflag:$0x3] =	sbarrier.arrive $0xFFFF  }
0x26a: {  	_ =	shalt  }

</sc_bundles>
